<compile_context>
chip_gen: v7x
topology: tpu7x:2x2x1
jax: 0.10.2.dev20260603
libtpu: 0.0.44.dev20260713+nightly
codegen_flags: <defaults>
</compile_context>

<pallas_src>
import functools
import numpy as np
import jax
import jax.numpy as jnp
from jax import lax
from jax.experimental import pallas as pl
from jax.experimental.pallas import tpu as pltpu
from jax.experimental.pallas import tpu_sc as plsc

DIM = 32
SCALE = np.sqrt(np.float32(DIM)).astype(np.float32)
NC, NS = 2, 16
NW = NC * NS
NB2 = 2
NBUF = 4
GATHER_AHEAD = 3


@functools.lru_cache(maxsize=None)
def _make(B1, B2):
    cols_w = B1 // NW
    n_chunks = B2 // NB2
    n_groups = n_chunks // NBUF
    assert B2 % NB2 == 0 and n_chunks % NBUF == 0
    mesh = plsc.VectorSubcoreMesh(
        core_axis_name="c", subcore_axis_name="s",
        num_cores=NC, num_subcores=NS)

    @functools.partial(
        pl.kernel,
        out_type=jax.ShapeDtypeStruct((B2, DIM // 8, B1 // 128, 8, 128),
                                      jnp.float32),
        mesh=mesh,
        scratch_types=(
            [pltpu.VMEM((B2, cols_w), jnp.int32)]
            + [pltpu.VMEM((NB2 * cols_w, DIM), jnp.float32)] * NBUF
            + [pltpu.VMEM((NB2, DIM // 8, 8, cols_w + 1), jnp.float32)] * NBUF
            + [pltpu.SemaphoreType.DMA] * (2 * NBUF)
        ),
        compiler_params=pltpu.CompilerParams(
            use_tc_tiling_on_sc=False, needs_layout_passes=False),
    )
    def emb_kernel(table_hbm, xt_hbm, out_hbm, idx_v, *scratch):
        gbufs = scratch[:NBUF]
        obufs = scratch[NBUF:2 * NBUF]
        gsems = scratch[2 * NBUF:3 * NBUF]
        ssems = scratch[3 * NBUF:]
        wid = lax.axis_index("s") * NC + lax.axis_index("c")
        col0 = wid * cols_w

        def fire_gather(c, b):
            for s in range(NB2):
                pltpu.async_copy(
                    table_hbm.at[idx_v.at[c * NB2 + s]],
                    gbufs[b].at[pl.ds(s * cols_w, cols_w)],
                    gsems[b])

        def wait_gather(b):
            pltpu.make_async_copy(
                table_hbm.at[pl.ds(0, NB2 * cols_w)],
                gbufs[b], gsems[b]).wait()

        def fire_scatter(c, b):
            pltpu.async_copy(
                obufs[b].at[:, :, :, pl.ds(0, cols_w)],
                out_hbm.at[pl.ds(c * NB2, NB2), :, wid],
                ssems[b])

        def wait_scatter(b):
            pltpu.make_async_copy(
                obufs[b].at[:, :, :, pl.ds(0, cols_w)],
                out_hbm.at[pl.ds(0, NB2), :, 0],
                ssems[b]).wait()

        lane = lax.iota(jnp.int32, 16)
        dim_rows = [lane + 16 * h for h in range(DIM // 16)]
        big_rows = [lax.div(d, 8) for d in dim_rows]
        sub_rows = [lax.rem(d, 8) for d in dim_rows]
        s_ids = [jnp.broadcast_to(jnp.int32(s), (16,)) for s in range(NB2)]

        def scale(b):
            gbuf, obuf = gbufs[b], obufs[b]

            @plsc.parallel_loop(0, cols_w, step=1, unroll=4)
            def _scale(l):
                lcol = jnp.broadcast_to(l, (16,))
                for s in range(NB2):
                    for h in range(DIM // 16):
                        vec = gbuf[s * cols_w + l, pl.ds(16 * h, 16)]
                        plsc.store_scatter(
                            obuf, [s_ids[s], big_rows[h], sub_rows[h], lcol],
                            vec * SCALE)

        pltpu.sync_copy(xt_hbm.at[:, pl.ds(col0, cols_w)], idx_v)

        for c in range(GATHER_AHEAD):
            fire_gather(c, c % NBUF)

        @pl.loop(0, n_groups)
        def _group(g):
            for i in range(NBUF):
                c = g * NBUF + i
                wait_gather(i)

                @pl.when(c >= NBUF)
                def _():
                    wait_scatter(i)

                scale(i)
                fire_scatter(c, i)

                @pl.when(c + GATHER_AHEAD < n_chunks)
                def _():
                    fire_gather(c + GATHER_AHEAD, (i + GATHER_AHEAD) % NBUF)

        for c in range(n_chunks - NBUF, n_chunks):
            wait_scatter(c % NBUF)

    return emb_kernel


def kernel(x, table):
    B1, B2 = x.shape
    xt = jnp.transpose(x, (1, 0)).astype(jnp.int32)
    out5 = _make(B1, B2)(table, xt)
    out = jnp.transpose(out5, (0, 1, 3, 2, 4)).reshape(B2, DIM, B1)
    return jnp.transpose(out, (2, 0, 1))

# --- scband reference (transcript-rebuilt; emitter-appended) ---
"""Pipeline reference for scband-embeddings-20246475833739 (READ-ONLY COPY).

The authoritative reference and input builder live on the scoring server;
editing this copy changes nothing except your own understanding.
"""

import jax, jax.numpy as jnp
import numpy as np

VOCAB = 1000000
DIM = 32

def setup_inputs(seed: int = 0) -> dict:
    key = jax.random.key(seed)
    k1, k2 = jax.random.split(key)
    x = jax.random.randint(k1, (4096, 200), 0, VOCAB, dtype=jnp.int64 if jax.config.jax_enable_x64 else jnp.int32)
    table = jax.random.normal(k2, (VOCAB, DIM), dtype=jnp.float32)
    # padding_idx=0: row 0 is zero
    table = table.at[0].set(0.0)
    return {"x": x, "table": table}

def reference(x, table):
    # Embeddings.forward: self.embed(x) * sqrt(dim_embed)
    emb = jnp.take(table, x, axis=0)
    return emb * np.sqrt(DIM).astype(np.float32)

if __name__ == "__main__":
    import jax
    _d = setup_inputs()
    print(jax.jit(kernel)(*tuple(_d.values())))

</pallas_src>

<mosaic_0001>
#map = affine_map<(d0, d1) -> (0, 0)>
#map1 = affine_map<(d0, d1) -> (0, 0, 0, 0, 0)>
module attributes {stable_mosaic.version = 14 : i64} {
  func.func @emb_kernel(%arg0: i32, %arg1: i32, %arg2: memref<1000000x32xf32, #tpu.memory_space<hbm>>, %arg3: memref<200x4096xi32, #tpu.memory_space<hbm>>, %arg4: memref<200x4x32x8x128xf32, #tpu.memory_space<hbm>>, %arg5: memref<200x128xi32, #tpu.memory_space<vmem>>, %arg6: memref<256x32xf32, #tpu.memory_space<vmem>>, %arg7: memref<256x32xf32, #tpu.memory_space<vmem>>, %arg8: memref<256x32xf32, #tpu.memory_space<vmem>>, %arg9: memref<256x32xf32, #tpu.memory_space<vmem>>, %arg10: memref<2x4x8x129xf32, #tpu.memory_space<vmem>>, %arg11: memref<2x4x8x129xf32, #tpu.memory_space<vmem>>, %arg12: memref<2x4x8x129xf32, #tpu.memory_space<vmem>>, %arg13: memref<2x4x8x129xf32, #tpu.memory_space<vmem>>, %arg14: memref<!tpu.dma_semaphore, #tpu.memory_space<semaphore_mem>>, %arg15: memref<!tpu.dma_semaphore, #tpu.memory_space<semaphore_mem>>, %arg16: memref<!tpu.dma_semaphore, #tpu.memory_space<semaphore_mem>>, %arg17: memref<!tpu.dma_semaphore, #tpu.memory_space<semaphore_mem>>, %arg18: memref<!tpu.dma_semaphore, #tpu.memory_space<semaphore_mem>>, %arg19: memref<!tpu.dma_semaphore, #tpu.memory_space<semaphore_mem>>, %arg20: memref<!tpu.dma_semaphore, #tpu.memory_space<semaphore_mem>>, %arg21: memref<!tpu.dma_semaphore, #tpu.memory_space<semaphore_mem>>) attributes {dimension_semantics = [#tpu.dimension_semantics<core_parallel>, #tpu.dimension_semantics<subcore_parallel>], iteration_bounds = array<i64: 2, 16>, scalar_prefetch = 0 : i64, scratch_operands = 17 : i64, tpu.core_type = #tpu.core_type<sc_vector_subcore>, window_params = [{transform_indices = #map}, {transform_indices = #map}, {transform_indices = #map1}]} {
    %mul3A = arith.constant 2 : i32
    %mul3A_0 = arith.muli %arg1, %mul3A : i32
    %add3A = arith.addi %mul3A_0, %arg0 : i32
    %mul3A_1 = arith.constant 128 : i32
    %mul3A_2 = arith.muli %add3A, %mul3A_1 : i32
    %iota3A = tpu.iota {dimensions = array<i32: 0>} : vector<16xi32>
    %add3A_3 = arith.constant 0 : i32
    %add3A_4 = vector.broadcast %add3A_3 : i32 to vector<16xi32>
    %add3A_5 = arith.addi %iota3A, %add3A_4 : vector<16xi32>
    %add3A_6 = arith.constant 16 : i32
    %add3A_7 = vector.broadcast %add3A_6 : i32 to vector<16xi32>
    %add3A_8 = arith.addi %iota3A, %add3A_7 : vector<16xi32>
    %div3A = arith.constant 8 : i32
    %div3A_9 = vector.broadcast %div3A : i32 to vector<16xi32>
    %div3A_10 = arith.divsi %add3A_5, %div3A_9 : vector<16xi32>
    %div3A_11 = arith.constant 8 : i32
    %div3A_12 = vector.broadcast %div3A_11 : i32 to vector<16xi32>
    %div3A_13 = arith.divsi %add3A_8, %div3A_12 : vector<16xi32>
    %rem3A = arith.constant 8 : i32
    %rem3A_14 = vector.broadcast %rem3A : i32 to vector<16xi32>
    %rem3A_15 = arith.remsi %add3A_5, %rem3A_14 : vector<16xi32>
    %rem3A_16 = arith.constant 8 : i32
    %rem3A_17 = vector.broadcast %rem3A_16 : i32 to vector<16xi32>
    %rem3A_18 = arith.remsi %add3A_8, %rem3A_17 : vector<16xi32>
    %broadcast_in_dim3A = arith.constant 0 : i32
    %broadcast_in_dim3A_19 = vector.broadcast %broadcast_in_dim3A : i32 to vector<16xi32>
    %broadcast_in_dim3A_20 = arith.constant 1 : i32
    %broadcast_in_dim3A_21 = vector.broadcast %broadcast_in_dim3A_20 : i32 to vector<16xi32>
    "tpu.region"() ({
      %run_scoped3A = tpu.sem_alloc : memref<!tpu.dma_semaphore, #tpu.memory_space<semaphore_mem>>
      %dma_start3A_176 = arith.constant 0 : i32
      %dma_start3A_177 = tpu.memref_slice %arg3[%dma_start3A_176, %mul3A_2] : memref<200x4096xi32, #tpu.memory_space<hbm>> -> memref<200x128xi32, #tpu.memory_space<hbm>>
      %dma_start3A_178 = arith.constant 0 : i32
      %dma_start3A_179 = tpu.memref_slice %arg3[%dma_start3A_178, %mul3A_2] : memref<200x4096xi32, #tpu.memory_space<hbm>> -> memref<200x128xi32, #tpu.memory_space<hbm>>
      tpu.enqueue_dma source(%dma_start3A_179 : memref<200x128xi32, #tpu.memory_space<hbm>>) target(%arg5 : memref<200x128xi32, #tpu.memory_space<vmem>>) target_semaphore(%run_scoped3A : memref<!tpu.dma_semaphore, #tpu.memory_space<semaphore_mem>>)
      %dma_wait3A_180 = arith.constant 0 : i32
      %dma_wait3A_181 = tpu.memref_slice %arg3[%dma_wait3A_180, %mul3A_2] : memref<200x4096xi32, #tpu.memory_space<hbm>> -> memref<200x128xi32, #tpu.memory_space<hbm>>
      %dma_wait3A_182 = arith.constant 0 : i32
      %dma_wait3A_183 = tpu.memref_slice %arg3[%dma_wait3A_182, %mul3A_2] : memref<200x4096xi32, #tpu.memory_space<hbm>> -> memref<200x128xi32, #tpu.memory_space<hbm>>
      tpu.wait_dma2 semaphore(%run_scoped3A : memref<!tpu.dma_semaphore, #tpu.memory_space<semaphore_mem>>) src(%dma_wait3A_183 : memref<200x128xi32, #tpu.memory_space<hbm>>) dst(%arg5 : memref<200x128xi32, #tpu.memory_space<vmem>>)
      tpu.yield
    }) : () -> ()
    %dma_start3A = arith.constant 0 : i32
    %dma_start3A_22 = arith.constant 0 : i32
    %dma_start3A_23 = arith.constant 0 : i32
    %dma_start3A_24 = tpu.memref_slice %arg6[%dma_start3A_22, %dma_start3A_23] : memref<256x32xf32, #tpu.memory_space<vmem>> -> memref<128x32xf32, #tpu.memory_space<vmem>>
    %dma_start3A_25 = arith.constant 0 : i32
    %dma_start3A_26 = tpu.memref_slice %arg5[%dma_start3A, %dma_start3A_25] : memref<200x128xi32, #tpu.memory_space<vmem>> -> memref<1x128xi32, #tpu.memory_space<vmem>>
    %dma_start3A_27 = tpu.memref_squeeze %dma_start3A_26 : memref<1x128xi32, #tpu.memory_space<vmem>> -> memref<128xi32, #tpu.memory_space<vmem>>
    %dma_start3A_28 = arith.constant 0 : i32
    %dma_start3A_29 = arith.constant 0 : i32
    %dma_start3A_30 = tpu.memref_slice %arg2[%dma_start3A_28, %dma_start3A_29] : memref<1000000x32xf32, #tpu.memory_space<hbm>> -> memref<1000000x32xf32, #tpu.memory_space<hbm>>
    tpu.enqueue_indirect_dma source(%dma_start3A_30 : memref<1000000x32xf32, #tpu.memory_space<hbm>>) target(%dma_start3A_24 : memref<128x32xf32, #tpu.memory_space<vmem>>) offsets(%dma_start3A_27 : memref<128xi32, #tpu.memory_space<vmem>>) semaphore(%arg14 : memref<!tpu.dma_semaphore, #tpu.memory_space<semaphore_mem>>)
    %dma_start3A_31 = arith.constant 1 : i32
    %dma_start3A_32 = arith.constant 128 : i32
    %dma_start3A_33 = arith.constant 0 : i32
    %dma_start3A_34 = tpu.memref_slice %arg6[%dma_start3A_32, %dma_start3A_33] : memref<256x32xf32, #tpu.memory_space<vmem>> -> memref<128x32xf32, #tpu.memory_space<vmem>>
    %dma_start3A_35 = arith.constant 0 : i32
    %dma_start3A_36 = tpu.memref_slice %arg5[%dma_start3A_31, %dma_start3A_35] : memref<200x128xi32, #tpu.memory_space<vmem>> -> memref<1x128xi32, #tpu.memory_space<vmem>>
    %dma_start3A_37 = tpu.memref_squeeze %dma_start3A_36 : memref<1x128xi32, #tpu.memory_space<vmem>> -> memref<128xi32, #tpu.memory_space<vmem>>
    %dma_start3A_38 = arith.constant 0 : i32
    %dma_start3A_39 = arith.constant 0 : i32
    %dma_start3A_40 = tpu.memref_slice %arg2[%dma_start3A_38, %dma_start3A_39] : memref<1000000x32xf32, #tpu.memory_space<hbm>> -> memref<1000000x32xf32, #tpu.memory_space<hbm>>
    tpu.enqueue_indirect_dma source(%dma_start3A_40 : memref<1000000x32xf32, #tpu.memory_space<hbm>>) target(%dma_start3A_34 : memref<128x32xf32, #tpu.memory_space<vmem>>) offsets(%dma_start3A_37 : memref<128xi32, #tpu.memory_space<vmem>>) semaphore(%arg14 : memref<!tpu.dma_semaphore, #tpu.memory_space<semaphore_mem>>)
    %dma_start3A_41 = arith.constant 2 : i32
    %dma_start3A_42 = arith.constant 0 : i32
    %dma_start3A_43 = arith.constant 0 : i32
    %dma_start3A_44 = tpu.memref_slice %arg7[%dma_start3A_42, %dma_start3A_43] : memref<256x32xf32, #tpu.memory_space<vmem>> -> memref<128x32xf32, #tpu.memory_space<vmem>>
    %dma_start3A_45 = arith.constant 0 : i32
    %dma_start3A_46 = tpu.memref_slice %arg5[%dma_start3A_41, %dma_start3A_45] : memref<200x128xi32, #tpu.memory_space<vmem>> -> memref<1x128xi32, #tpu.memory_space<vmem>>
    %dma_start3A_47 = tpu.memref_squeeze %dma_start3A_46 : memref<1x128xi32, #tpu.memory_space<vmem>> -> memref<128xi32, #tpu.memory_space<vmem>>
    %dma_start3A_48 = arith.constant 0 : i32
    %dma_start3A_49 = arith.constant 0 : i32
    %dma_start3A_50 = tpu.memref_slice %arg2[%dma_start3A_48, %dma_start3A_49] : memref<1000000x32xf32, #tpu.memory_space<hbm>> -> memref<1000000x32xf32, #tpu.memory_space<hbm>>
    tpu.enqueue_indirect_dma source(%dma_start3A_50 : memref<1000000x32xf32, #tpu.memory_space<hbm>>) target(%dma_start3A_44 : memref<128x32xf32, #tpu.memory_space<vmem>>) offsets(%dma_start3A_47 : memref<128xi32, #tpu.memory_space<vmem>>) semaphore(%arg15 : memref<!tpu.dma_semaphore, #tpu.memory_space<semaphore_mem>>)
    %dma_start3A_51 = arith.constant 3 : i32
    %dma_start3A_52 = arith.constant 128 : i32
    %dma_start3A_53 = arith.constant 0 : i32
    %dma_start3A_54 = tpu.memref_slice %arg7[%dma_start3A_52, %dma_start3A_53] : memref<256x32xf32, #tpu.memory_space<vmem>> -> memref<128x32xf32, #tpu.memory_space<vmem>>
    %dma_start3A_55 = arith.constant 0 : i32
    %dma_start3A_56 = tpu.memref_slice %arg5[%dma_start3A_51, %dma_start3A_55] : memref<200x128xi32, #tpu.memory_space<vmem>> -> memref<1x128xi32, #tpu.memory_space<vmem>>
    %dma_start3A_57 = tpu.memref_squeeze %dma_start3A_56 : memref<1x128xi32, #tpu.memory_space<vmem>> -> memref<128xi32, #tpu.memory_space<vmem>>
    %dma_start3A_58 = arith.constant 0 : i32
    %dma_start3A_59 = arith.constant 0 : i32
    %dma_start3A_60 = tpu.memref_slice %arg2[%dma_start3A_58, %dma_start3A_59] : memref<1000000x32xf32, #tpu.memory_space<hbm>> -> memref<1000000x32xf32, #tpu.memory_space<hbm>>
    tpu.enqueue_indirect_dma source(%dma_start3A_60 : memref<1000000x32xf32, #tpu.memory_space<hbm>>) target(%dma_start3A_54 : memref<128x32xf32, #tpu.memory_space<vmem>>) offsets(%dma_start3A_57 : memref<128xi32, #tpu.memory_space<vmem>>) semaphore(%arg15 : memref<!tpu.dma_semaphore, #tpu.memory_space<semaphore_mem>>)
    %dma_start3A_61 = arith.constant 4 : i32
    %dma_start3A_62 = arith.constant 0 : i32
    %dma_start3A_63 = arith.constant 0 : i32
    %dma_start3A_64 = tpu.memref_slice %arg8[%dma_start3A_62, %dma_start3A_63] : memref<256x32xf32, #tpu.memory_space<vmem>> -> memref<128x32xf32, #tpu.memory_space<vmem>>
    %dma_start3A_65 = arith.constant 0 : i32
    %dma_start3A_66 = tpu.memref_slice %arg5[%dma_start3A_61, %dma_start3A_65] : memref<200x128xi32, #tpu.memory_space<vmem>> -> memref<1x128xi32, #tpu.memory_space<vmem>>
    %dma_start3A_67 = tpu.memref_squeeze %dma_start3A_66 : memref<1x128xi32, #tpu.memory_space<vmem>> -> memref<128xi32, #tpu.memory_space<vmem>>
    %dma_start3A_68 = arith.constant 0 : i32
    %dma_start3A_69 = arith.constant 0 : i32
    %dma_start3A_70 = tpu.memref_slice %arg2[%dma_start3A_68, %dma_start3A_69] : memref<1000000x32xf32, #tpu.memory_space<hbm>> -> memref<1000000x32xf32, #tpu.memory_space<hbm>>
    tpu.enqueue_indirect_dma source(%dma_start3A_70 : memref<1000000x32xf32, #tpu.memory_space<hbm>>) target(%dma_start3A_64 : memref<128x32xf32, #tpu.memory_space<vmem>>) offsets(%dma_start3A_67 : memref<128xi32, #tpu.memory_space<vmem>>) semaphore(%arg16 : memref<!tpu.dma_semaphore, #tpu.memory_space<semaphore_mem>>)
    %dma_start3A_71 = arith.constant 5 : i32
    %dma_start3A_72 = arith.constant 128 : i32
    %dma_start3A_73 = arith.constant 0 : i32
    %dma_start3A_74 = tpu.memref_slice %arg8[%dma_start3A_72, %dma_start3A_73] : memref<256x32xf32, #tpu.memory_space<vmem>> -> memref<128x32xf32, #tpu.memory_space<vmem>>
    %dma_start3A_75 = arith.constant 0 : i32
    %dma_start3A_76 = tpu.memref_slice %arg5[%dma_start3A_71, %dma_start3A_75] : memref<200x128xi32, #tpu.memory_space<vmem>> -> memref<1x128xi32, #tpu.memory_space<vmem>>
    %dma_start3A_77 = tpu.memref_squeeze %dma_start3A_76 : memref<1x128xi32, #tpu.memory_space<vmem>> -> memref<128xi32, #tpu.memory_space<vmem>>
    %dma_start3A_78 = arith.constant 0 : i32
    %dma_start3A_79 = arith.constant 0 : i32
    %dma_start3A_80 = tpu.memref_slice %arg2[%dma_start3A_78, %dma_start3A_79] : memref<1000000x32xf32, #tpu.memory_space<hbm>> -> memref<1000000x32xf32, #tpu.memory_space<hbm>>
    tpu.enqueue_indirect_dma source(%dma_start3A_80 : memref<1000000x32xf32, #tpu.memory_space<hbm>>) target(%dma_start3A_74 : memref<128x32xf32, #tpu.memory_space<vmem>>) offsets(%dma_start3A_77 : memref<128xi32, #tpu.memory_space<vmem>>) semaphore(%arg16 : memref<!tpu.dma_semaphore, #tpu.memory_space<semaphore_mem>>)
    %scan3A = arith.constant 0 : i32
    %scan3A_81 = arith.constant 25 : i32
    %scan3A_82 = arith.addi %scan3A, %scan3A_81 : i32
    %scan3A_83 = arith.constant 1 : i32
    scf.for %scan3A_176 = %scan3A to %scan3A_82 step %scan3A_83  : i32 {
      %mul3A_177 = arith.constant 1 : i32
      %mul3A_178 = arith.muli %scan3A_176, %mul3A_177 : i32
      %add3A_179 = arith.constant 0 : i32
      %add3A_180 = arith.addi %add3A_179, %mul3A_178 : i32
      %mul3A_181 = arith.constant 4 : i32
      %mul3A_182 = arith.muli %add3A_180, %mul3A_181 : i32
      %add3A_183 = arith.constant 0 : i32
      %add3A_184 = arith.addi %mul3A_182, %add3A_183 : i32
      %dma_wait3A_185 = arith.constant 0 : i32
      %dma_wait3A_186 = arith.constant 0 : i32
      %dma_wait3A_187 = tpu.memref_slice %arg2[%dma_wait3A_185, %dma_wait3A_186] : memref<1000000x32xf32, #tpu.memory_space<hbm>> -> memref<256x32xf32, #tpu.memory_space<hbm>>
      %dma_wait3A_188 = arith.constant 0 : i32
      %dma_wait3A_189 = arith.constant 0 : i32
      %dma_wait3A_190 = tpu.memref_slice %arg2[%dma_wait3A_188, %dma_wait3A_189] : memref<1000000x32xf32, #tpu.memory_space<hbm>> -> memref<256x32xf32, #tpu.memory_space<hbm>>
      tpu.wait_dma2 semaphore(%arg14 : memref<!tpu.dma_semaphore, #tpu.memory_space<semaphore_mem>>) src(%dma_wait3A_190 : memref<256x32xf32, #tpu.memory_space<hbm>>) dst(%arg6 : memref<256x32xf32, #tpu.memory_space<vmem>>)
      %ge3A = arith.constant 4 : i32
      %ge3A_191 = arith.cmpi sge, %add3A_184, %ge3A : i32
      %convert_element_type3A = arith.extui %ge3A_191 : i1 to i32
      %cond3A = arith.constant 0 : i32
      %cond3A_192 = arith.cmpi ne, %convert_element_type3A, %cond3A : i32
      scf.if %cond3A_192 {
        %dma_wait3A_364 = arith.constant 0 : i32
        %dma_wait3A_365 = arith.constant 0 : i32
        %dma_wait3A_366 = arith.constant 0 : i32
        %dma_wait3A_367 = arith.constant 0 : i32
        %dma_wait3A_368 = arith.constant 0 : i32
        %dma_wait3A_369 = tpu.memref_slice %arg10[%dma_wait3A_365, %dma_wait3A_366, %dma_wait3A_367, %dma_wait3A_368] : memref<2x4x8x129xf32, #tpu.memory_space<vmem>> -> memref<2x4x8x128xf32, #tpu.memory_space<vmem>>
        %dma_wait3A_370 = arith.constant 0 : i32
        %dma_wait3A_371 = arith.constant 0 : i32
        %dma_wait3A_372 = arith.constant 0 : i32
        %dma_wait3A_373 = arith.constant 0 : i32
        %dma_wait3A_374 = tpu.memref_slice %arg4[%dma_wait3A_370, %dma_wait3A_371, %dma_wait3A_364, %dma_wait3A_372, %dma_wait3A_373] : memref<200x4x32x8x128xf32, #tpu.memory_space<hbm>> -> memref<2x4x1x8x128xf32, #tpu.memory_space<hbm>>
        %dma_wait3A_375 = tpu.memref_squeeze %dma_wait3A_374 : memref<2x4x1x8x128xf32, #tpu.memory_space<hbm>> -> memref<2x4x8x128xf32, #tpu.memory_space<hbm>>
        %dma_wait3A_376 = arith.constant 0 : i32
        %dma_wait3A_377 = arith.constant 0 : i32
        %dma_wait3A_378 = arith.constant 0 : i32
        %dma_wait3A_379 = arith.constant 0 : i32
        %dma_wait3A_380 = tpu.memref_slice %arg4[%dma_wait3A_376, %dma_wait3A_377, %dma_wait3A_364, %dma_wait3A_378, %dma_wait3A_379] : memref<200x4x32x8x128xf32, #tpu.memory_space<hbm>> -> memref<2x4x1x8x128xf32, #tpu.memory_space<hbm>>
        %dma_wait3A_381 = tpu.memref_squeeze %dma_wait3A_380 : memref<2x4x1x8x128xf32, #tpu.memory_space<hbm>> -> memref<2x4x8x128xf32, #tpu.memory_space<hbm>>
        %dma_wait3A_382 = arith.constant 0 : i32
        %dma_wait3A_383 = arith.constant 0 : i32
        %dma_wait3A_384 = arith.constant 0 : i32
        %dma_wait3A_385 = arith.constant 0 : i32
        %dma_wait3A_386 = tpu.memref_slice %arg10[%dma_wait3A_382, %dma_wait3A_383, %dma_wait3A_384, %dma_wait3A_385] : memref<2x4x8x129xf32, #tpu.memory_space<vmem>> -> memref<2x4x8x128xf32, #tpu.memory_space<vmem>>
        tpu.wait_dma2 semaphore(%arg18 : memref<!tpu.dma_semaphore, #tpu.memory_space<semaphore_mem>>) src(%dma_wait3A_386 : memref<2x4x8x128xf32, #tpu.memory_space<vmem>>) dst(%dma_wait3A_381 : memref<2x4x8x128xf32, #tpu.memory_space<hbm>>)
      } else {
      }
      %parallel_loop3A = arith.constant 0 : i32
      %parallel_loop3A_193 = arith.constant 128 : i32
      %parallel_loop3A_194 = arith.constant 1 : i32
      scf.for %parallel_loop3A_364 = %parallel_loop3A to %parallel_loop3A_193 step %parallel_loop3A_194  : i32 {
        %parallel_loop3A_365 = vector.broadcast %parallel_loop3A_364 : i32 to vector<16xi32>
        %parallel_loop3A_366 = arith.constant 0 : i32
        %parallel_loop3A_367 = arith.addi %parallel_loop3A_366, %parallel_loop3A_364 : i32
        %parallel_loop3A_368 = arith.index_cast %parallel_loop3A_367 : i32 to index
        %parallel_loop3A_369 = arith.constant 0 : index
        %parallel_loop3A_370 = tpu.vector_load %arg6[%parallel_loop3A_368, %parallel_loop3A_369] {strides = array<i32>} : memref<256x32xf32, #tpu.memory_space<vmem>>, vector<16xf32>,
        %parallel_loop3A_371 = arith.constant 5.65685415 : f32
        %parallel_loop3A_372 = vector.broadcast %parallel_loop3A_371 : f32 to vector<16xf32>
        %parallel_loop3A_373 = arith.mulf %parallel_loop3A_370, %parallel_loop3A_372 : vector<16xf32>
        tpu.vector_store_idx %arg10[%broadcast_in_dim3A_19, %div3A_10, %rem3A_15, %parallel_loop3A_365], %parallel_loop3A_373 : memref<2x4x8x129xf32, #tpu.memory_space<vmem>>[vector<16xi32>, vector<16xi32>, vector<16xi32>, vector<16xi32>], vector<16xf32>,
        %parallel_loop3A_374 = arith.constant 0 : i32
        %parallel_loop3A_375 = arith.addi %parallel_loop3A_374, %parallel_loop3A_364 : i32
        %parallel_loop3A_376 = arith.index_cast %parallel_loop3A_375 : i32 to index
        %parallel_loop3A_377 = arith.constant 16 : index
        %parallel_loop3A_378 = tpu.vector_load %arg6[%parallel_loop3A_376, %parallel_loop3A_377] {strides = array<i32>} : memref<256x32xf32, #tpu.memory_space<vmem>>, vector<16xf32>,
        %parallel_loop3A_379 = arith.constant 5.65685415 : f32
        %parallel_loop3A_380 = vector.broadcast %parallel_loop3A_379 : f32 to vector<16xf32>
        %parallel_loop3A_381 = arith.mulf %parallel_loop3A_378, %parallel_loop3A_380 : vector<16xf32>
        tpu.vector_store_idx %arg10[%broadcast_in_dim3A_19, %div3A_13, %rem3A_18, %parallel_loop3A_365], %parallel_loop3A_381 : memref<2x4x8x129xf32, #tpu.memory_space<vmem>>[vector<16xi32>, vector<16xi32>, vector<16xi32>, vector<16xi32>], vector<16xf32>,
        %parallel_loop3A_382 = arith.constant 128 : i32
        %parallel_loop3A_383 = arith.addi %parallel_loop3A_382, %parallel_loop3A_364 : i32
        %parallel_loop3A_384 = arith.index_cast %parallel_loop3A_383 : i32 to index
        %parallel_loop3A_385 = arith.constant 0 : index
        %parallel_loop3A_386 = tpu.vector_load %arg6[%parallel_loop3A_384, %parallel_loop3A_385] {strides = array<i32>} : memref<256x32xf32, #tpu.memory_space<vmem>>, vector<16xf32>,
        %parallel_loop3A_387 = arith.constant 5.65685415 : f32
        %parallel_loop3A_388 = vector.broadcast %parallel_loop3A_387 : f32 to vector<16xf32>
        %parallel_loop3A_389 = arith.mulf %parallel_loop3A_386, %parallel_loop3A_388 : vector<16xf32>
        tpu.vector_store_idx %arg10[%broadcast_in_dim3A_21, %div3A_10, %rem3A_15, %parallel_loop3A_365], %parallel_loop3A_389 : memref<2x4x8x129xf32, #tpu.memory_space<vmem>>[vector<16xi32>, vector<16xi32>, vector<16xi32>, vector<16xi32>], vector<16xf32>,
        %parallel_loop3A_390 = arith.constant 128 : i32
        %parallel_loop3A_391 = arith.addi %parallel_loop3A_390, %parallel_loop3A_364 : i32
        %parallel_loop3A_392 = arith.index_cast %parallel_loop3A_391 : i32 to index
        %parallel_loop3A_393 = arith.constant 16 : index
        %parallel_loop3A_394 = tpu.vector_load %arg6[%parallel_loop3A_392, %parallel_loop3A_393] {strides = array<i32>} : memref<256x32xf32, #tpu.memory_space<vmem>>, vector<16xf32>,
        %parallel_loop3A_395 = arith.constant 5.65685415 : f32
        %parallel_loop3A_396 = vector.broadcast %parallel_loop3A_395 : f32 to vector<16xf32>
        %parallel_loop3A_397 = arith.mulf %parallel_loop3A_394, %parallel_loop3A_396 : vector<16xf32>
        tpu.vector_store_idx %arg10[%broadcast_in_dim3A_21, %div3A_13, %rem3A_18, %parallel_loop3A_365], %parallel_loop3A_397 : memref<2x4x8x129xf32, #tpu.memory_space<vmem>>[vector<16xi32>, vector<16xi32>, vector<16xi32>, vector<16xi32>], vector<16xf32>,
      } {sc.loop_unroll_factor = 4 : i64, sc.parallel_access}
      %mul3A_195 = arith.constant 2 : i32
      %mul3A_196 = arith.muli %add3A_184, %mul3A_195 : i32
      %dma_start3A_197 = arith.constant 0 : i32
      %dma_start3A_198 = arith.constant 0 : i32
      %dma_start3A_199 = arith.constant 0 : i32
      %dma_start3A_200 = arith.constant 0 : i32
      %dma_start3A_201 = tpu.memref_slice %arg10[%dma_start3A_197, %dma_start3A_198, %dma_start3A_199, %dma_start3A_200] : memref<2x4x8x129xf32, #tpu.memory_space<vmem>> -> memref<2x4x8x128xf32, #tpu.memory_space<vmem>>
      %dma_start3A_202 = arith.constant 0 : i32
      %dma_start3A_203 = arith.constant 0 : i32
      %dma_start3A_204 = arith.constant 0 : i32
      %dma_start3A_205 = tpu.memref_slice %arg4[%mul3A_196, %dma_start3A_202, %add3A, %dma_start3A_203, %dma_start3A_204] : memref<200x4x32x8x128xf32, #tpu.memory_space<hbm>> -> memref<2x4x1x8x128xf32, #tpu.memory_space<hbm>>
      %dma_start3A_206 = tpu.memref_squeeze %dma_start3A_205 : memref<2x4x1x8x128xf32, #tpu.memory_space<hbm>> -> memref<2x4x8x128xf32, #tpu.memory_space<hbm>>
      %dma_start3A_207 = arith.constant 0 : i32
      %dma_start3A_208 = arith.constant 0 : i32
      %dma_start3A_209 = arith.constant 0 : i32
      %dma_start3A_210 = tpu.memref_slice %arg4[%mul3A_196, %dma_start3A_207, %add3A, %dma_start3A_208, %dma_start3A_209] : memref<200x4x32x8x128xf32, #tpu.memory_space<hbm>> -> memref<2x4x1x8x128xf32, #tpu.memory_space<hbm>>
      %dma_start3A_211 = tpu.memref_squeeze %dma_start3A_210 : memref<2x4x1x8x128xf32, #tpu.memory_space<hbm>> -> memref<2x4x8x128xf32, #tpu.memory_space<hbm>>
      %dma_start3A_212 = arith.constant 0 : i32
      %dma_start3A_213 = arith.constant 0 : i32
      %dma_start3A_214 = arith.constant 0 : i32
      %dma_start3A_215 = arith.constant 0 : i32
      %dma_start3A_216 = tpu.memref_slice %arg10[%dma_start3A_212, %dma_start3A_213, %dma_start3A_214, %dma_start3A_215] : memref<2x4x8x129xf32, #tpu.memory_space<vmem>> -> memref<2x4x8x128xf32, #tpu.memory_space<vmem>>
      tpu.enqueue_dma source(%dma_start3A_216 : memref<2x4x8x128xf32, #tpu.memory_space<vmem>>) target(%dma_start3A_211 : memref<2x4x8x128xf32, #tpu.memory_space<hbm>>) target_semaphore(%arg18 : memref<!tpu.dma_semaphore, #tpu.memory_space<semaphore_mem>>)
      %add3A_217 = arith.constant 3 : i32
      %add3A_218 = arith.addi %add3A_184, %add3A_217 : i32
      %lt3A = arith.constant 100 : i32
      %lt3A_219 = arith.cmpi slt, %add3A_218, %lt3A : i32
      %convert_element_type3A_220 = arith.extui %lt3A_219 : i1 to i32
      %cond3A_221 = arith.constant 0 : i32
      %cond3A_222 = arith.cmpi ne, %convert_element_type3A_220, %cond3A_221 : i32
      scf.if %cond3A_222 {
        %add3A_364 = arith.constant 3 : i32
        %add3A_365 = arith.addi %add3A_184, %add3A_364 : i32
        %mul3A_366 = arith.constant 2 : i32
        %mul3A_367 = arith.muli %add3A_365, %mul3A_366 : i32
        %add3A_368 = arith.constant 0 : i32
        %add3A_369 = arith.addi %mul3A_367, %add3A_368 : i32
        %dma_start3A_370 = arith.constant 0 : i32
        %dma_start3A_371 = arith.constant 0 : i32
        %dma_start3A_372 = tpu.memref_slice %arg9[%dma_start3A_370, %dma_start3A_371] : memref<256x32xf32, #tpu.memory_space<vmem>> -> memref<128x32xf32, #tpu.memory_space<vmem>>
        %dma_start3A_373 = arith.constant 0 : i32
        %dma_start3A_374 = tpu.memref_slice %arg5[%add3A_369, %dma_start3A_373] : memref<200x128xi32, #tpu.memory_space<vmem>> -> memref<1x128xi32, #tpu.memory_space<vmem>>
        %dma_start3A_375 = tpu.memref_squeeze %dma_start3A_374 : memref<1x128xi32, #tpu.memory_space<vmem>> -> memref<128xi32, #tpu.memory_space<vmem>>
        %dma_start3A_376 = arith.constant 0 : i32
        %dma_start3A_377 = arith.constant 0 : i32
        %dma_start3A_378 = tpu.memref_slice %arg2[%dma_start3A_376, %dma_start3A_377] : memref<1000000x32xf32, #tpu.memory_space<hbm>> -> memref<1000000x32xf32, #tpu.memory_space<hbm>>
        tpu.enqueue_indirect_dma source(%dma_start3A_378 : memref<1000000x32xf32, #tpu.memory_space<hbm>>) target(%dma_start3A_372 : memref<128x32xf32, #tpu.memory_space<vmem>>) offsets(%dma_start3A_375 : memref<128xi32, #tpu.memory_space<vmem>>) semaphore(%arg17 : memref<!tpu.dma_semaphore, #tpu.memory_space<semaphore_mem>>)
        %mul3A_379 = arith.constant 2 : i32
        %mul3A_380 = arith.muli %add3A_365, %mul3A_379 : i32
        %add3A_381 = arith.constant 1 : i32
        %add3A_382 = arith.addi %mul3A_380, %add3A_381 : i32
        %dma_start3A_383 = arith.constant 128 : i32
        %dma_start3A_384 = arith.constant 0 : i32
        %dma_start3A_385 = tpu.memref_slice %arg9[%dma_start3A_383, %dma_start3A_384] : memref<256x32xf32, #tpu.memory_space<vmem>> -> memref<128x32xf32, #tpu.memory_space<vmem>>
        %dma_start3A_386 = arith.constant 0 : i32
        %dma_start3A_387 = tpu.memref_slice %arg5[%add3A_382, %dma_start3A_386] : memref<200x128xi32, #tpu.memory_space<vmem>> -> memref<1x128xi32, #tpu.memory_space<vmem>>
        %dma_start3A_388 = tpu.memref_squeeze %dma_start3A_387 : memref<1x128xi32, #tpu.memory_space<vmem>> -> memref<128xi32, #tpu.memory_space<vmem>>
        %dma_start3A_389 = arith.constant 0 : i32
        %dma_start3A_390 = arith.constant 0 : i32
        %dma_start3A_391 = tpu.memref_slice %arg2[%dma_start3A_389, %dma_start3A_390] : memref<1000000x32xf32, #tpu.memory_space<hbm>> -> memref<1000000x32xf32, #tpu.memory_space<hbm>>
        tpu.enqueue_indirect_dma source(%dma_start3A_391 : memref<1000000x32xf32, #tpu.memory_space<hbm>>) target(%dma_start3A_385 : memref<128x32xf32, #tpu.memory_space<vmem>>) offsets(%dma_start3A_388 : memref<128xi32, #tpu.memory_space<vmem>>) semaphore(%arg17 : memref<!tpu.dma_semaphore, #tpu.memory_space<semaphore_mem>>)
      } else {
      }
      %mul3A_223 = arith.constant 4 : i32
      %mul3A_224 = arith.muli %add3A_180, %mul3A_223 : i32
      %add3A_225 = arith.constant 1 : i32
      %add3A_226 = arith.addi %mul3A_224, %add3A_225 : i32
      %dma_wait3A_227 = arith.constant 0 : i32
      %dma_wait3A_228 = arith.constant 0 : i32
      %dma_wait3A_229 = tpu.memref_slice %arg2[%dma_wait3A_227, %dma_wait3A_228] : memref<1000000x32xf32, #tpu.memory_space<hbm>> -> memref<256x32xf32, #tpu.memory_space<hbm>>
      %dma_wait3A_230 = arith.constant 0 : i32
      %dma_wait3A_231 = arith.constant 0 : i32
      %dma_wait3A_232 = tpu.memref_slice %arg2[%dma_wait3A_230, %dma_wait3A_231] : memref<1000000x32xf32, #tpu.memory_space<hbm>> -> memref<256x32xf32, #tpu.memory_space<hbm>>
      tpu.wait_dma2 semaphore(%arg15 : memref<!tpu.dma_semaphore, #tpu.memory_space<semaphore_mem>>) src(%dma_wait3A_232 : memref<256x32xf32, #tpu.memory_space<hbm>>) dst(%arg7 : memref<256x32xf32, #tpu.memory_space<vmem>>)
      %ge3A_233 = arith.constant 4 : i32
      %ge3A_234 = arith.cmpi sge, %add3A_226, %ge3A_233 : i32
      %convert_element_type3A_235 = arith.extui %ge3A_234 : i1 to i32
      %cond3A_236 = arith.constant 0 : i32
      %cond3A_237 = arith.cmpi ne, %convert_element_type3A_235, %cond3A_236 : i32
      scf.if %cond3A_237 {
        %dma_wait3A_364 = arith.constant 0 : i32
        %dma_wait3A_365 = arith.constant 0 : i32
        %dma_wait3A_366 = arith.constant 0 : i32
        %dma_wait3A_367 = arith.constant 0 : i32
        %dma_wait3A_368 = arith.constant 0 : i32
        %dma_wait3A_369 = tpu.memref_slice %arg11[%dma_wait3A_365, %dma_wait3A_366, %dma_wait3A_367, %dma_wait3A_368] : memref<2x4x8x129xf32, #tpu.memory_space<vmem>> -> memref<2x4x8x128xf32, #tpu.memory_space<vmem>>
        %dma_wait3A_370 = arith.constant 0 : i32
        %dma_wait3A_371 = arith.constant 0 : i32
        %dma_wait3A_372 = arith.constant 0 : i32
        %dma_wait3A_373 = arith.constant 0 : i32
        %dma_wait3A_374 = tpu.memref_slice %arg4[%dma_wait3A_370, %dma_wait3A_371, %dma_wait3A_364, %dma_wait3A_372, %dma_wait3A_373] : memref<200x4x32x8x128xf32, #tpu.memory_space<hbm>> -> memref<2x4x1x8x128xf32, #tpu.memory_space<hbm>>
        %dma_wait3A_375 = tpu.memref_squeeze %dma_wait3A_374 : memref<2x4x1x8x128xf32, #tpu.memory_space<hbm>> -> memref<2x4x8x128xf32, #tpu.memory_space<hbm>>
        %dma_wait3A_376 = arith.constant 0 : i32
        %dma_wait3A_377 = arith.constant 0 : i32
        %dma_wait3A_378 = arith.constant 0 : i32
        %dma_wait3A_379 = arith.constant 0 : i32
        %dma_wait3A_380 = tpu.memref_slice %arg4[%dma_wait3A_376, %dma_wait3A_377, %dma_wait3A_364, %dma_wait3A_378, %dma_wait3A_379] : memref<200x4x32x8x128xf32, #tpu.memory_space<hbm>> -> memref<2x4x1x8x128xf32, #tpu.memory_space<hbm>>
        %dma_wait3A_381 = tpu.memref_squeeze %dma_wait3A_380 : memref<2x4x1x8x128xf32, #tpu.memory_space<hbm>> -> memref<2x4x8x128xf32, #tpu.memory_space<hbm>>
        %dma_wait3A_382 = arith.constant 0 : i32
        %dma_wait3A_383 = arith.constant 0 : i32
        %dma_wait3A_384 = arith.constant 0 : i32
        %dma_wait3A_385 = arith.constant 0 : i32
        %dma_wait3A_386 = tpu.memref_slice %arg11[%dma_wait3A_382, %dma_wait3A_383, %dma_wait3A_384, %dma_wait3A_385] : memref<2x4x8x129xf32, #tpu.memory_space<vmem>> -> memref<2x4x8x128xf32, #tpu.memory_space<vmem>>
        tpu.wait_dma2 semaphore(%arg19 : memref<!tpu.dma_semaphore, #tpu.memory_space<semaphore_mem>>) src(%dma_wait3A_386 : memref<2x4x8x128xf32, #tpu.memory_space<vmem>>) dst(%dma_wait3A_381 : memref<2x4x8x128xf32, #tpu.memory_space<hbm>>)
      } else {
      }
      %parallel_loop3A_238 = arith.constant 0 : i32
      %parallel_loop3A_239 = arith.constant 128 : i32
      %parallel_loop3A_240 = arith.constant 1 : i32
      scf.for %parallel_loop3A_364 = %parallel_loop3A_238 to %parallel_loop3A_239 step %parallel_loop3A_240  : i32 {
        %parallel_loop3A_365 = vector.broadcast %parallel_loop3A_364 : i32 to vector<16xi32>
        %parallel_loop3A_366 = arith.constant 0 : i32
        %parallel_loop3A_367 = arith.addi %parallel_loop3A_366, %parallel_loop3A_364 : i32
        %parallel_loop3A_368 = arith.index_cast %parallel_loop3A_367 : i32 to index
        %parallel_loop3A_369 = arith.constant 0 : index
        %parallel_loop3A_370 = tpu.vector_load %arg7[%parallel_loop3A_368, %parallel_loop3A_369] {strides = array<i32>} : memref<256x32xf32, #tpu.memory_space<vmem>>, vector<16xf32>,
        %parallel_loop3A_371 = arith.constant 5.65685415 : f32
        %parallel_loop3A_372 = vector.broadcast %parallel_loop3A_371 : f32 to vector<16xf32>
        %parallel_loop3A_373 = arith.mulf %parallel_loop3A_370, %parallel_loop3A_372 : vector<16xf32>
        tpu.vector_store_idx %arg11[%broadcast_in_dim3A_19, %div3A_10, %rem3A_15, %parallel_loop3A_365], %parallel_loop3A_373 : memref<2x4x8x129xf32, #tpu.memory_space<vmem>>[vector<16xi32>, vector<16xi32>, vector<16xi32>, vector<16xi32>], vector<16xf32>,
        %parallel_loop3A_374 = arith.constant 0 : i32
        %parallel_loop3A_375 = arith.addi %parallel_loop3A_374, %parallel_loop3A_364 : i32
        %parallel_loop3A_376 = arith.index_cast %parallel_loop3A_375 : i32 to index
        %parallel_loop3A_377 = arith.constant 16 : index
        %parallel_loop3A_378 = tpu.vector_load %arg7[%parallel_loop3A_376, %parallel_loop3A_377] {strides = array<i32>} : memref<256x32xf32, #tpu.memory_space<vmem>>, vector<16xf32>,
        %parallel_loop3A_379 = arith.constant 5.65685415 : f32
        %parallel_loop3A_380 = vector.broadcast %parallel_loop3A_379 : f32 to vector<16xf32>
        %parallel_loop3A_381 = arith.mulf %parallel_loop3A_378, %parallel_loop3A_380 : vector<16xf32>
        tpu.vector_store_idx %arg11[%broadcast_in_dim3A_19, %div3A_13, %rem3A_18, %parallel_loop3A_365], %parallel_loop3A_381 : memref<2x4x8x129xf32, #tpu.memory_space<vmem>>[vector<16xi32>, vector<16xi32>, vector<16xi32>, vector<16xi32>], vector<16xf32>,
        %parallel_loop3A_382 = arith.constant 128 : i32
        %parallel_loop3A_383 = arith.addi %parallel_loop3A_382, %parallel_loop3A_364 : i32
        %parallel_loop3A_384 = arith.index_cast %parallel_loop3A_383 : i32 to index
        %parallel_loop3A_385 = arith.constant 0 : index
        %parallel_loop3A_386 = tpu.vector_load %arg7[%parallel_loop3A_384, %parallel_loop3A_385] {strides = array<i32>} : memref<256x32xf32, #tpu.memory_space<vmem>>, vector<16xf32>,
        %parallel_loop3A_387 = arith.constant 5.65685415 : f32
        %parallel_loop3A_388 = vector.broadcast %parallel_loop3A_387 : f32 to vector<16xf32>
        %parallel_loop3A_389 = arith.mulf %parallel_loop3A_386, %parallel_loop3A_388 : vector<16xf32>
        tpu.vector_store_idx %arg11[%broadcast_in_dim3A_21, %div3A_10, %rem3A_15, %parallel_loop3A_365], %parallel_loop3A_389 : memref<2x4x8x129xf32, #tpu.memory_space<vmem>>[vector<16xi32>, vector<16xi32>, vector<16xi32>, vector<16xi32>], vector<16xf32>,
        %parallel_loop3A_390 = arith.constant 128 : i32
        %parallel_loop3A_391 = arith.addi %parallel_loop3A_390, %parallel_loop3A_364 : i32
        %parallel_loop3A_392 = arith.index_cast %parallel_loop3A_391 : i32 to index
        %parallel_loop3A_393 = arith.constant 16 : index
        %parallel_loop3A_394 = tpu.vector_load %arg7[%parallel_loop3A_392, %parallel_loop3A_393] {strides = array<i32>} : memref<256x32xf32, #tpu.memory_space<vmem>>, vector<16xf32>,
        %parallel_loop3A_395 = arith.constant 5.65685415 : f32
        %parallel_loop3A_396 = vector.broadcast %parallel_loop3A_395 : f32 to vector<16xf32>
        %parallel_loop3A_397 = arith.mulf %parallel_loop3A_394, %parallel_loop3A_396 : vector<16xf32>
        tpu.vector_store_idx %arg11[%broadcast_in_dim3A_21, %div3A_13, %rem3A_18, %parallel_loop3A_365], %parallel_loop3A_397 : memref<2x4x8x129xf32, #tpu.memory_space<vmem>>[vector<16xi32>, vector<16xi32>, vector<16xi32>, vector<16xi32>], vector<16xf32>,
      } {sc.loop_unroll_factor = 4 : i64, sc.parallel_access}
      %mul3A_241 = arith.constant 2 : i32
      %mul3A_242 = arith.muli %add3A_226, %mul3A_241 : i32
      %dma_start3A_243 = arith.constant 0 : i32
      %dma_start3A_244 = arith.constant 0 : i32
      %dma_start3A_245 = arith.constant 0 : i32
      %dma_start3A_246 = arith.constant 0 : i32
      %dma_start3A_247 = tpu.memref_slice %arg11[%dma_start3A_243, %dma_start3A_244, %dma_start3A_245, %dma_start3A_246] : memref<2x4x8x129xf32, #tpu.memory_space<vmem>> -> memref<2x4x8x128xf32, #tpu.memory_space<vmem>>
      %dma_start3A_248 = arith.constant 0 : i32
      %dma_start3A_249 = arith.constant 0 : i32
      %dma_start3A_250 = arith.constant 0 : i32
      %dma_start3A_251 = tpu.memref_slice %arg4[%mul3A_242, %dma_start3A_248, %add3A, %dma_start3A_249, %dma_start3A_250] : memref<200x4x32x8x128xf32, #tpu.memory_space<hbm>> -> memref<2x4x1x8x128xf32, #tpu.memory_space<hbm>>
      %dma_start3A_252 = tpu.memref_squeeze %dma_start3A_251 : memref<2x4x1x8x128xf32, #tpu.memory_space<hbm>> -> memref<2x4x8x128xf32, #tpu.memory_space<hbm>>
      %dma_start3A_253 = arith.constant 0 : i32
      %dma_start3A_254 = arith.constant 0 : i32
      %dma_start3A_255 = arith.constant 0 : i32
      %dma_start3A_256 = tpu.memref_slice %arg4[%mul3A_242, %dma_start3A_253, %add3A, %dma_start3A_254, %dma_start3A_255] : memref<200x4x32x8x128xf32, #tpu.memory_space<hbm>> -> memref<2x4x1x8x128xf32, #tpu.memory_space<hbm>>
      %dma_start3A_257 = tpu.memref_squeeze %dma_start3A_256 : memref<2x4x1x8x128xf32, #tpu.memory_space<hbm>> -> memref<2x4x8x128xf32, #tpu.memory_space<hbm>>
      %dma_start3A_258 = arith.constant 0 : i32
      %dma_start3A_259 = arith.constant 0 : i32
      %dma_start3A_260 = arith.constant 0 : i32
      %dma_start3A_261 = arith.constant 0 : i32
      %dma_start3A_262 = tpu.memref_slice %arg11[%dma_start3A_258, %dma_start3A_259, %dma_start3A_260, %dma_start3A_261] : memref<2x4x8x129xf32, #tpu.memory_space<vmem>> -> memref<2x4x8x128xf32, #tpu.memory_space<vmem>>
      tpu.enqueue_dma source(%dma_start3A_262 : memref<2x4x8x128xf32, #tpu.memory_space<vmem>>) target(%dma_start3A_257 : memref<2x4x8x128xf32, #tpu.memory_space<hbm>>) target_semaphore(%arg19 : memref<!tpu.dma_semaphore, #tpu.memory_space<semaphore_mem>>)
      %add3A_263 = arith.constant 3 : i32
      %add3A_264 = arith.addi %add3A_226, %add3A_263 : i32
      %lt3A_265 = arith.constant 100 : i32
      %lt3A_266 = arith.cmpi slt, %add3A_264, %lt3A_265 : i32
      %convert_element_type3A_267 = arith.extui %lt3A_266 : i1 to i32
      %cond3A_268 = arith.constant 0 : i32
      %cond3A_269 = arith.cmpi ne, %convert_element_type3A_267, %cond3A_268 : i32
      scf.if %cond3A_269 {
        %add3A_364 = arith.constant 3 : i32
        %add3A_365 = arith.addi %add3A_226, %add3A_364 : i32
        %mul3A_366 = arith.constant 2 : i32
        %mul3A_367 = arith.muli %add3A_365, %mul3A_366 : i32
        %add3A_368 = arith.constant 0 : i32
        %add3A_369 = arith.addi %mul3A_367, %add3A_368 : i32
        %dma_start3A_370 = arith.constant 0 : i32
        %dma_start3A_371 = arith.constant 0 : i32
        %dma_start3A_372 = tpu.memref_slice %arg6[%dma_start3A_370, %dma_start3A_371] : memref<256x32xf32, #tpu.memory_space<vmem>> -> memref<128x32xf32, #tpu.memory_space<vmem>>
        %dma_start3A_373 = arith.constant 0 : i32
        %dma_start3A_374 = tpu.memref_slice %arg5[%add3A_369, %dma_start3A_373] : memref<200x128xi32, #tpu.memory_space<vmem>> -> memref<1x128xi32, #tpu.memory_space<vmem>>
        %dma_start3A_375 = tpu.memref_squeeze %dma_start3A_374 : memref<1x128xi32, #tpu.memory_space<vmem>> -> memref<128xi32, #tpu.memory_space<vmem>>
        %dma_start3A_376 = arith.constant 0 : i32
        %dma_start3A_377 = arith.constant 0 : i32
        %dma_start3A_378 = tpu.memref_slice %arg2[%dma_start3A_376, %dma_start3A_377] : memref<1000000x32xf32, #tpu.memory_space<hbm>> -> memref<1000000x32xf32, #tpu.memory_space<hbm>>
        tpu.enqueue_indirect_dma source(%dma_start3A_378 : memref<1000000x32xf32, #tpu.memory_space<hbm>>) target(%dma_start3A_372 : memref<128x32xf32, #tpu.memory_space<vmem>>) offsets(%dma_start3A_375 : memref<128xi32, #tpu.memory_space<vmem>>) semaphore(%arg14 : memref<!tpu.dma_semaphore, #tpu.memory_space<semaphore_mem>>)
        %mul3A_379 = arith.constant 2 : i32
        %mul3A_380 = arith.muli %add3A_365, %mul3A_379 : i32
        %add3A_381 = arith.constant 1 : i32
        %add3A_382 = arith.addi %mul3A_380, %add3A_381 : i32
        %dma_start3A_383 = arith.constant 128 : i32
        %dma_start3A_384 = arith.constant 0 : i32
        %dma_start3A_385 = tpu.memref_slice %arg6[%dma_start3A_383, %dma_start3A_384] : memref<256x32xf32, #tpu.memory_space<vmem>> -> memref<128x32xf32, #tpu.memory_space<vmem>>
        %dma_start3A_386 = arith.constant 0 : i32
        %dma_start3A_387 = tpu.memref_slice %arg5[%add3A_382, %dma_start3A_386] : memref<200x128xi32, #tpu.memory_space<vmem>> -> memref<1x128xi32, #tpu.memory_space<vmem>>
        %dma_start3A_388 = tpu.memref_squeeze %dma_start3A_387 : memref<1x128xi32, #tpu.memory_space<vmem>> -> memref<128xi32, #tpu.memory_space<vmem>>
        %dma_start3A_389 = arith.constant 0 : i32
        %dma_start3A_390 = arith.constant 0 : i32
        %dma_start3A_391 = tpu.memref_slice %arg2[%dma_start3A_389, %dma_start3A_390] : memref<1000000x32xf32, #tpu.memory_space<hbm>> -> memref<1000000x32xf32, #tpu.memory_space<hbm>>
        tpu.enqueue_indirect_dma source(%dma_start3A_391 : memref<1000000x32xf32, #tpu.memory_space<hbm>>) target(%dma_start3A_385 : memref<128x32xf32, #tpu.memory_space<vmem>>) offsets(%dma_start3A_388 : memref<128xi32, #tpu.memory_space<vmem>>) semaphore(%arg14 : memref<!tpu.dma_semaphore, #tpu.memory_space<semaphore_mem>>)
      } else {
      }
      %mul3A_270 = arith.constant 4 : i32
      %mul3A_271 = arith.muli %add3A_180, %mul3A_270 : i32
      %add3A_272 = arith.constant 2 : i32
      %add3A_273 = arith.addi %mul3A_271, %add3A_272 : i32
      %dma_wait3A_274 = arith.constant 0 : i32
      %dma_wait3A_275 = arith.constant 0 : i32
      %dma_wait3A_276 = tpu.memref_slice %arg2[%dma_wait3A_274, %dma_wait3A_275] : memref<1000000x32xf32, #tpu.memory_space<hbm>> -> memref<256x32xf32, #tpu.memory_space<hbm>>
      %dma_wait3A_277 = arith.constant 0 : i32
      %dma_wait3A_278 = arith.constant 0 : i32
      %dma_wait3A_279 = tpu.memref_slice %arg2[%dma_wait3A_277, %dma_wait3A_278] : memref<1000000x32xf32, #tpu.memory_space<hbm>> -> memref<256x32xf32, #tpu.memory_space<hbm>>
      tpu.wait_dma2 semaphore(%arg16 : memref<!tpu.dma_semaphore, #tpu.memory_space<semaphore_mem>>) src(%dma_wait3A_279 : memref<256x32xf32, #tpu.memory_space<hbm>>) dst(%arg8 : memref<256x32xf32, #tpu.memory_space<vmem>>)
      %ge3A_280 = arith.constant 4 : i32
      %ge3A_281 = arith.cmpi sge, %add3A_273, %ge3A_280 : i32
      %convert_element_type3A_282 = arith.extui %ge3A_281 : i1 to i32
      %cond3A_283 = arith.constant 0 : i32
      %cond3A_284 = arith.cmpi ne, %convert_element_type3A_282, %cond3A_283 : i32
      scf.if %cond3A_284 {
        %dma_wait3A_364 = arith.constant 0 : i32
        %dma_wait3A_365 = arith.constant 0 : i32
        %dma_wait3A_366 = arith.constant 0 : i32
        %dma_wait3A_367 = arith.constant 0 : i32
        %dma_wait3A_368 = arith.constant 0 : i32
        %dma_wait3A_369 = tpu.memref_slice %arg12[%dma_wait3A_365, %dma_wait3A_366, %dma_wait3A_367, %dma_wait3A_368] : memref<2x4x8x129xf32, #tpu.memory_space<vmem>> -> memref<2x4x8x128xf32, #tpu.memory_space<vmem>>
        %dma_wait3A_370 = arith.constant 0 : i32
        %dma_wait3A_371 = arith.constant 0 : i32
        %dma_wait3A_372 = arith.constant 0 : i32
        %dma_wait3A_373 = arith.constant 0 : i32
        %dma_wait3A_374 = tpu.memref_slice %arg4[%dma_wait3A_370, %dma_wait3A_371, %dma_wait3A_364, %dma_wait3A_372, %dma_wait3A_373] : memref<200x4x32x8x128xf32, #tpu.memory_space<hbm>> -> memref<2x4x1x8x128xf32, #tpu.memory_space<hbm>>
        %dma_wait3A_375 = tpu.memref_squeeze %dma_wait3A_374 : memref<2x4x1x8x128xf32, #tpu.memory_space<hbm>> -> memref<2x4x8x128xf32, #tpu.memory_space<hbm>>
        %dma_wait3A_376 = arith.constant 0 : i32
        %dma_wait3A_377 = arith.constant 0 : i32
        %dma_wait3A_378 = arith.constant 0 : i32
        %dma_wait3A_379 = arith.constant 0 : i32
        %dma_wait3A_380 = tpu.memref_slice %arg4[%dma_wait3A_376, %dma_wait3A_377, %dma_wait3A_364, %dma_wait3A_378, %dma_wait3A_379] : memref<200x4x32x8x128xf32, #tpu.memory_space<hbm>> -> memref<2x4x1x8x128xf32, #tpu.memory_space<hbm>>
        %dma_wait3A_381 = tpu.memref_squeeze %dma_wait3A_380 : memref<2x4x1x8x128xf32, #tpu.memory_space<hbm>> -> memref<2x4x8x128xf32, #tpu.memory_space<hbm>>
        %dma_wait3A_382 = arith.constant 0 : i32
        %dma_wait3A_383 = arith.constant 0 : i32
        %dma_wait3A_384 = arith.constant 0 : i32
        %dma_wait3A_385 = arith.constant 0 : i32
        %dma_wait3A_386 = tpu.memref_slice %arg12[%dma_wait3A_382, %dma_wait3A_383, %dma_wait3A_384, %dma_wait3A_385] : memref<2x4x8x129xf32, #tpu.memory_space<vmem>> -> memref<2x4x8x128xf32, #tpu.memory_space<vmem>>
        tpu.wait_dma2 semaphore(%arg20 : memref<!tpu.dma_semaphore, #tpu.memory_space<semaphore_mem>>) src(%dma_wait3A_386 : memref<2x4x8x128xf32, #tpu.memory_space<vmem>>) dst(%dma_wait3A_381 : memref<2x4x8x128xf32, #tpu.memory_space<hbm>>)
      } else {
      }
      %parallel_loop3A_285 = arith.constant 0 : i32
      %parallel_loop3A_286 = arith.constant 128 : i32
      %parallel_loop3A_287 = arith.constant 1 : i32
      scf.for %parallel_loop3A_364 = %parallel_loop3A_285 to %parallel_loop3A_286 step %parallel_loop3A_287  : i32 {
        %parallel_loop3A_365 = vector.broadcast %parallel_loop3A_364 : i32 to vector<16xi32>
        %parallel_loop3A_366 = arith.constant 0 : i32
        %parallel_loop3A_367 = arith.addi %parallel_loop3A_366, %parallel_loop3A_364 : i32
        %parallel_loop3A_368 = arith.index_cast %parallel_loop3A_367 : i32 to index
        %parallel_loop3A_369 = arith.constant 0 : index
        %parallel_loop3A_370 = tpu.vector_load %arg8[%parallel_loop3A_368, %parallel_loop3A_369] {strides = array<i32>} : memref<256x32xf32, #tpu.memory_space<vmem>>, vector<16xf32>,
        %parallel_loop3A_371 = arith.constant 5.65685415 : f32
        %parallel_loop3A_372 = vector.broadcast %parallel_loop3A_371 : f32 to vector<16xf32>
        %parallel_loop3A_373 = arith.mulf %parallel_loop3A_370, %parallel_loop3A_372 : vector<16xf32>
        tpu.vector_store_idx %arg12[%broadcast_in_dim3A_19, %div3A_10, %rem3A_15, %parallel_loop3A_365], %parallel_loop3A_373 : memref<2x4x8x129xf32, #tpu.memory_space<vmem>>[vector<16xi32>, vector<16xi32>, vector<16xi32>, vector<16xi32>], vector<16xf32>,
        %parallel_loop3A_374 = arith.constant 0 : i32
        %parallel_loop3A_375 = arith.addi %parallel_loop3A_374, %parallel_loop3A_364 : i32
        %parallel_loop3A_376 = arith.index_cast %parallel_loop3A_375 : i32 to index
        %parallel_loop3A_377 = arith.constant 16 : index
        %parallel_loop3A_378 = tpu.vector_load %arg8[%parallel_loop3A_376, %parallel_loop3A_377] {strides = array<i32>} : memref<256x32xf32, #tpu.memory_space<vmem>>, vector<16xf32>,
        %parallel_loop3A_379 = arith.constant 5.65685415 : f32
        %parallel_loop3A_380 = vector.broadcast %parallel_loop3A_379 : f32 to vector<16xf32>
        %parallel_loop3A_381 = arith.mulf %parallel_loop3A_378, %parallel_loop3A_380 : vector<16xf32>
        tpu.vector_store_idx %arg12[%broadcast_in_dim3A_19, %div3A_13, %rem3A_18, %parallel_loop3A_365], %parallel_loop3A_381 : memref<2x4x8x129xf32, #tpu.memory_space<vmem>>[vector<16xi32>, vector<16xi32>, vector<16xi32>, vector<16xi32>], vector<16xf32>,
        %parallel_loop3A_382 = arith.constant 128 : i32
        %parallel_loop3A_383 = arith.addi %parallel_loop3A_382, %parallel_loop3A_364 : i32
        %parallel_loop3A_384 = arith.index_cast %parallel_loop3A_383 : i32 to index
        %parallel_loop3A_385 = arith.constant 0 : index
        %parallel_loop3A_386 = tpu.vector_load %arg8[%parallel_loop3A_384, %parallel_loop3A_385] {strides = array<i32>} : memref<256x32xf32, #tpu.memory_space<vmem>>, vector<16xf32>,
        %parallel_loop3A_387 = arith.constant 5.65685415 : f32
        %parallel_loop3A_388 = vector.broadcast %parallel_loop3A_387 : f32 to vector<16xf32>
        %parallel_loop3A_389 = arith.mulf %parallel_loop3A_386, %parallel_loop3A_388 : vector<16xf32>
        tpu.vector_store_idx %arg12[%broadcast_in_dim3A_21, %div3A_10, %rem3A_15, %parallel_loop3A_365], %parallel_loop3A_389 : memref<2x4x8x129xf32, #tpu.memory_space<vmem>>[vector<16xi32>, vector<16xi32>, vector<16xi32>, vector<16xi32>], vector<16xf32>,
        %parallel_loop3A_390 = arith.constant 128 : i32
        %parallel_loop3A_391 = arith.addi %parallel_loop3A_390, %parallel_loop3A_364 : i32
        %parallel_loop3A_392 = arith.index_cast %parallel_loop3A_391 : i32 to index
        %parallel_loop3A_393 = arith.constant 16 : index
        %parallel_loop3A_394 = tpu.vector_load %arg8[%parallel_loop3A_392, %parallel_loop3A_393] {strides = array<i32>} : memref<256x32xf32, #tpu.memory_space<vmem>>, vector<16xf32>,
        %parallel_loop3A_395 = arith.constant 5.65685415 : f32
        %parallel_loop3A_396 = vector.broadcast %parallel_loop3A_395 : f32 to vector<16xf32>
        %parallel_loop3A_397 = arith.mulf %parallel_loop3A_394, %parallel_loop3A_396 : vector<16xf32>
        tpu.vector_store_idx %arg12[%broadcast_in_dim3A_21, %div3A_13, %rem3A_18, %parallel_loop3A_365], %parallel_loop3A_397 : memref<2x4x8x129xf32, #tpu.memory_space<vmem>>[vector<16xi32>, vector<16xi32>, vector<16xi32>, vector<16xi32>], vector<16xf32>,
      } {sc.loop_unroll_factor = 4 : i64, sc.parallel_access}
      %mul3A_288 = arith.constant 2 : i32
      %mul3A_289 = arith.muli %add3A_273, %mul3A_288 : i32
      %dma_start3A_290 = arith.constant 0 : i32
      %dma_start3A_291 = arith.constant 0 : i32
      %dma_start3A_292 = arith.constant 0 : i32
      %dma_start3A_293 = arith.constant 0 : i32
      %dma_start3A_294 = tpu.memref_slice %arg12[%dma_start3A_290, %dma_start3A_291, %dma_start3A_292, %dma_start3A_293] : memref<2x4x8x129xf32, #tpu.memory_space<vmem>> -> memref<2x4x8x128xf32, #tpu.memory_space<vmem>>
      %dma_start3A_295 = arith.constant 0 : i32
      %dma_start3A_296 = arith.constant 0 : i32
      %dma_start3A_297 = arith.constant 0 : i32
      %dma_start3A_298 = tpu.memref_slice %arg4[%mul3A_289, %dma_start3A_295, %add3A, %dma_start3A_296, %dma_start3A_297] : memref<200x4x32x8x128xf32, #tpu.memory_space<hbm>> -> memref<2x4x1x8x128xf32, #tpu.memory_space<hbm>>
      %dma_start3A_299 = tpu.memref_squeeze %dma_start3A_298 : memref<2x4x1x8x128xf32, #tpu.memory_space<hbm>> -> memref<2x4x8x128xf32, #tpu.memory_space<hbm>>
      %dma_start3A_300 = arith.constant 0 : i32
      %dma_start3A_301 = arith.constant 0 : i32
      %dma_start3A_302 = arith.constant 0 : i32
      %dma_start3A_303 = tpu.memref_slice %arg4[%mul3A_289, %dma_start3A_300, %add3A, %dma_start3A_301, %dma_start3A_302] : memref<200x4x32x8x128xf32, #tpu.memory_space<hbm>> -> memref<2x4x1x8x128xf32, #tpu.memory_space<hbm>>
      %dma_start3A_304 = tpu.memref_squeeze %dma_start3A_303 : memref<2x4x1x8x128xf32, #tpu.memory_space<hbm>> -> memref<2x4x8x128xf32, #tpu.memory_space<hbm>>
      %dma_start3A_305 = arith.constant 0 : i32
      %dma_start3A_306 = arith.constant 0 : i32
      %dma_start3A_307 = arith.constant 0 : i32
      %dma_start3A_308 = arith.constant 0 : i32
      %dma_start3A_309 = tpu.memref_slice %arg12[%dma_start3A_305, %dma_start3A_306, %dma_start3A_307, %dma_start3A_308] : memref<2x4x8x129xf32, #tpu.memory_space<vmem>> -> memref<2x4x8x128xf32, #tpu.memory_space<vmem>>
      tpu.enqueue_dma source(%dma_start3A_309 : memref<2x4x8x128xf32, #tpu.memory_space<vmem>>) target(%dma_start3A_304 : memref<2x4x8x128xf32, #tpu.memory_space<hbm>>) target_semaphore(%arg20 : memref<!tpu.dma_semaphore, #tpu.memory_space<semaphore_mem>>)
      %add3A_310 = arith.constant 3 : i32
      %add3A_311 = arith.addi %add3A_273, %add3A_310 : i32
      %lt3A_312 = arith.constant 100 : i32
      %lt3A_313 = arith.cmpi slt, %add3A_311, %lt3A_312 : i32
      %convert_element_type3A_314 = arith.extui %lt3A_313 : i1 to i32
      %cond3A_315 = arith.constant 0 : i32
      %cond3A_316 = arith.cmpi ne, %convert_element_type3A_314, %cond3A_315 : i32
      scf.if %cond3A_316 {
        %add3A_364 = arith.constant 3 : i32
        %add3A_365 = arith.addi %add3A_273, %add3A_364 : i32
        %mul3A_366 = arith.constant 2 : i32
        %mul3A_367 = arith.muli %add3A_365, %mul3A_366 : i32
        %add3A_368 = arith.constant 0 : i32
        %add3A_369 = arith.addi %mul3A_367, %add3A_368 : i32
        %dma_start3A_370 = arith.constant 0 : i32
        %dma_start3A_371 = arith.constant 0 : i32
        %dma_start3A_372 = tpu.memref_slice %arg7[%dma_start3A_370, %dma_start3A_371] : memref<256x32xf32, #tpu.memory_space<vmem>> -> memref<128x32xf32, #tpu.memory_space<vmem>>
        %dma_start3A_373 = arith.constant 0 : i32
        %dma_start3A_374 = tpu.memref_slice %arg5[%add3A_369, %dma_start3A_373] : memref<200x128xi32, #tpu.memory_space<vmem>> -> memref<1x128xi32, #tpu.memory_space<vmem>>
        %dma_start3A_375 = tpu.memref_squeeze %dma_start3A_374 : memref<1x128xi32, #tpu.memory_space<vmem>> -> memref<128xi32, #tpu.memory_space<vmem>>
        %dma_start3A_376 = arith.constant 0 : i32
        %dma_start3A_377 = arith.constant 0 : i32
        %dma_start3A_378 = tpu.memref_slice %arg2[%dma_start3A_376, %dma_start3A_377] : memref<1000000x32xf32, #tpu.memory_space<hbm>> -> memref<1000000x32xf32, #tpu.memory_space<hbm>>
        tpu.enqueue_indirect_dma source(%dma_start3A_378 : memref<1000000x32xf32, #tpu.memory_space<hbm>>) target(%dma_start3A_372 : memref<128x32xf32, #tpu.memory_space<vmem>>) offsets(%dma_start3A_375 : memref<128xi32, #tpu.memory_space<vmem>>) semaphore(%arg15 : memref<!tpu.dma_semaphore, #tpu.memory_space<semaphore_mem>>)
        %mul3A_379 = arith.constant 2 : i32
        %mul3A_380 = arith.muli %add3A_365, %mul3A_379 : i32
        %add3A_381 = arith.constant 1 : i32
        %add3A_382 = arith.addi %mul3A_380, %add3A_381 : i32
        %dma_start3A_383 = arith.constant 128 : i32
        %dma_start3A_384 = arith.constant 0 : i32
        %dma_start3A_385 = tpu.memref_slice %arg7[%dma_start3A_383, %dma_start3A_384] : memref<256x32xf32, #tpu.memory_space<vmem>> -> memref<128x32xf32, #tpu.memory_space<vmem>>
        %dma_start3A_386 = arith.constant 0 : i32
        %dma_start3A_387 = tpu.memref_slice %arg5[%add3A_382, %dma_start3A_386] : memref<200x128xi32, #tpu.memory_space<vmem>> -> memref<1x128xi32, #tpu.memory_space<vmem>>
        %dma_start3A_388 = tpu.memref_squeeze %dma_start3A_387 : memref<1x128xi32, #tpu.memory_space<vmem>> -> memref<128xi32, #tpu.memory_space<vmem>>
        %dma_start3A_389 = arith.constant 0 : i32
        %dma_start3A_390 = arith.constant 0 : i32
        %dma_start3A_391 = tpu.memref_slice %arg2[%dma_start3A_389, %dma_start3A_390] : memref<1000000x32xf32, #tpu.memory_space<hbm>> -> memref<1000000x32xf32, #tpu.memory_space<hbm>>
        tpu.enqueue_indirect_dma source(%dma_start3A_391 : memref<1000000x32xf32, #tpu.memory_space<hbm>>) target(%dma_start3A_385 : memref<128x32xf32, #tpu.memory_space<vmem>>) offsets(%dma_start3A_388 : memref<128xi32, #tpu.memory_space<vmem>>) semaphore(%arg15 : memref<!tpu.dma_semaphore, #tpu.memory_space<semaphore_mem>>)
      } else {
      }
      %mul3A_317 = arith.constant 4 : i32
      %mul3A_318 = arith.muli %add3A_180, %mul3A_317 : i32
      %add3A_319 = arith.constant 3 : i32
      %add3A_320 = arith.addi %mul3A_318, %add3A_319 : i32
      %dma_wait3A_321 = arith.constant 0 : i32
      %dma_wait3A_322 = arith.constant 0 : i32
      %dma_wait3A_323 = tpu.memref_slice %arg2[%dma_wait3A_321, %dma_wait3A_322] : memref<1000000x32xf32, #tpu.memory_space<hbm>> -> memref<256x32xf32, #tpu.memory_space<hbm>>
      %dma_wait3A_324 = arith.constant 0 : i32
      %dma_wait3A_325 = arith.constant 0 : i32
      %dma_wait3A_326 = tpu.memref_slice %arg2[%dma_wait3A_324, %dma_wait3A_325] : memref<1000000x32xf32, #tpu.memory_space<hbm>> -> memref<256x32xf32, #tpu.memory_space<hbm>>
      tpu.wait_dma2 semaphore(%arg17 : memref<!tpu.dma_semaphore, #tpu.memory_space<semaphore_mem>>) src(%dma_wait3A_326 : memref<256x32xf32, #tpu.memory_space<hbm>>) dst(%arg9 : memref<256x32xf32, #tpu.memory_space<vmem>>)
      %ge3A_327 = arith.constant 4 : i32
      %ge3A_328 = arith.cmpi sge, %add3A_320, %ge3A_327 : i32
      %convert_element_type3A_329 = arith.extui %ge3A_328 : i1 to i32
      %cond3A_330 = arith.constant 0 : i32
      %cond3A_331 = arith.cmpi ne, %convert_element_type3A_329, %cond3A_330 : i32
      scf.if %cond3A_331 {
        %dma_wait3A_364 = arith.constant 0 : i32
        %dma_wait3A_365 = arith.constant 0 : i32
        %dma_wait3A_366 = arith.constant 0 : i32
        %dma_wait3A_367 = arith.constant 0 : i32
        %dma_wait3A_368 = arith.constant 0 : i32
        %dma_wait3A_369 = tpu.memref_slice %arg13[%dma_wait3A_365, %dma_wait3A_366, %dma_wait3A_367, %dma_wait3A_368] : memref<2x4x8x129xf32, #tpu.memory_space<vmem>> -> memref<2x4x8x128xf32, #tpu.memory_space<vmem>>
        %dma_wait3A_370 = arith.constant 0 : i32
        %dma_wait3A_371 = arith.constant 0 : i32
        %dma_wait3A_372 = arith.constant 0 : i32
        %dma_wait3A_373 = arith.constant 0 : i32
        %dma_wait3A_374 = tpu.memref_slice %arg4[%dma_wait3A_370, %dma_wait3A_371, %dma_wait3A_364, %dma_wait3A_372, %dma_wait3A_373] : memref<200x4x32x8x128xf32, #tpu.memory_space<hbm>> -> memref<2x4x1x8x128xf32, #tpu.memory_space<hbm>>
        %dma_wait3A_375 = tpu.memref_squeeze %dma_wait3A_374 : memref<2x4x1x8x128xf32, #tpu.memory_space<hbm>> -> memref<2x4x8x128xf32, #tpu.memory_space<hbm>>
        %dma_wait3A_376 = arith.constant 0 : i32
        %dma_wait3A_377 = arith.constant 0 : i32
        %dma_wait3A_378 = arith.constant 0 : i32
        %dma_wait3A_379 = arith.constant 0 : i32
        %dma_wait3A_380 = tpu.memref_slice %arg4[%dma_wait3A_376, %dma_wait3A_377, %dma_wait3A_364, %dma_wait3A_378, %dma_wait3A_379] : memref<200x4x32x8x128xf32, #tpu.memory_space<hbm>> -> memref<2x4x1x8x128xf32, #tpu.memory_space<hbm>>
        %dma_wait3A_381 = tpu.memref_squeeze %dma_wait3A_380 : memref<2x4x1x8x128xf32, #tpu.memory_space<hbm>> -> memref<2x4x8x128xf32, #tpu.memory_space<hbm>>
        %dma_wait3A_382 = arith.constant 0 : i32
        %dma_wait3A_383 = arith.constant 0 : i32
        %dma_wait3A_384 = arith.constant 0 : i32
        %dma_wait3A_385 = arith.constant 0 : i32
        %dma_wait3A_386 = tpu.memref_slice %arg13[%dma_wait3A_382, %dma_wait3A_383, %dma_wait3A_384, %dma_wait3A_385] : memref<2x4x8x129xf32, #tpu.memory_space<vmem>> -> memref<2x4x8x128xf32, #tpu.memory_space<vmem>>
        tpu.wait_dma2 semaphore(%arg21 : memref<!tpu.dma_semaphore, #tpu.memory_space<semaphore_mem>>) src(%dma_wait3A_386 : memref<2x4x8x128xf32, #tpu.memory_space<vmem>>) dst(%dma_wait3A_381 : memref<2x4x8x128xf32, #tpu.memory_space<hbm>>)
      } else {
      }
      %parallel_loop3A_332 = arith.constant 0 : i32
      %parallel_loop3A_333 = arith.constant 128 : i32
      %parallel_loop3A_334 = arith.constant 1 : i32
      scf.for %parallel_loop3A_364 = %parallel_loop3A_332 to %parallel_loop3A_333 step %parallel_loop3A_334  : i32 {
        %parallel_loop3A_365 = vector.broadcast %parallel_loop3A_364 : i32 to vector<16xi32>
        %parallel_loop3A_366 = arith.constant 0 : i32
        %parallel_loop3A_367 = arith.addi %parallel_loop3A_366, %parallel_loop3A_364 : i32
        %parallel_loop3A_368 = arith.index_cast %parallel_loop3A_367 : i32 to index
        %parallel_loop3A_369 = arith.constant 0 : index
        %parallel_loop3A_370 = tpu.vector_load %arg9[%parallel_loop3A_368, %parallel_loop3A_369] {strides = array<i32>} : memref<256x32xf32, #tpu.memory_space<vmem>>, vector<16xf32>,
        %parallel_loop3A_371 = arith.constant 5.65685415 : f32
        %parallel_loop3A_372 = vector.broadcast %parallel_loop3A_371 : f32 to vector<16xf32>
        %parallel_loop3A_373 = arith.mulf %parallel_loop3A_370, %parallel_loop3A_372 : vector<16xf32>
        tpu.vector_store_idx %arg13[%broadcast_in_dim3A_19, %div3A_10, %rem3A_15, %parallel_loop3A_365], %parallel_loop3A_373 : memref<2x4x8x129xf32, #tpu.memory_space<vmem>>[vector<16xi32>, vector<16xi32>, vector<16xi32>, vector<16xi32>], vector<16xf32>,
        %parallel_loop3A_374 = arith.constant 0 : i32
        %parallel_loop3A_375 = arith.addi %parallel_loop3A_374, %parallel_loop3A_364 : i32
        %parallel_loop3A_376 = arith.index_cast %parallel_loop3A_375 : i32 to index
        %parallel_loop3A_377 = arith.constant 16 : index
        %parallel_loop3A_378 = tpu.vector_load %arg9[%parallel_loop3A_376, %parallel_loop3A_377] {strides = array<i32>} : memref<256x32xf32, #tpu.memory_space<vmem>>, vector<16xf32>,
        %parallel_loop3A_379 = arith.constant 5.65685415 : f32
        %parallel_loop3A_380 = vector.broadcast %parallel_loop3A_379 : f32 to vector<16xf32>
        %parallel_loop3A_381 = arith.mulf %parallel_loop3A_378, %parallel_loop3A_380 : vector<16xf32>
        tpu.vector_store_idx %arg13[%broadcast_in_dim3A_19, %div3A_13, %rem3A_18, %parallel_loop3A_365], %parallel_loop3A_381 : memref<2x4x8x129xf32, #tpu.memory_space<vmem>>[vector<16xi32>, vector<16xi32>, vector<16xi32>, vector<16xi32>], vector<16xf32>,
        %parallel_loop3A_382 = arith.constant 128 : i32
        %parallel_loop3A_383 = arith.addi %parallel_loop3A_382, %parallel_loop3A_364 : i32
        %parallel_loop3A_384 = arith.index_cast %parallel_loop3A_383 : i32 to index
        %parallel_loop3A_385 = arith.constant 0 : index
        %parallel_loop3A_386 = tpu.vector_load %arg9[%parallel_loop3A_384, %parallel_loop3A_385] {strides = array<i32>} : memref<256x32xf32, #tpu.memory_space<vmem>>, vector<16xf32>,
        %parallel_loop3A_387 = arith.constant 5.65685415 : f32
        %parallel_loop3A_388 = vector.broadcast %parallel_loop3A_387 : f32 to vector<16xf32>
        %parallel_loop3A_389 = arith.mulf %parallel_loop3A_386, %parallel_loop3A_388 : vector<16xf32>
        tpu.vector_store_idx %arg13[%broadcast_in_dim3A_21, %div3A_10, %rem3A_15, %parallel_loop3A_365], %parallel_loop3A_389 : memref<2x4x8x129xf32, #tpu.memory_space<vmem>>[vector<16xi32>, vector<16xi32>, vector<16xi32>, vector<16xi32>], vector<16xf32>,
        %parallel_loop3A_390 = arith.constant 128 : i32
        %parallel_loop3A_391 = arith.addi %parallel_loop3A_390, %parallel_loop3A_364 : i32
        %parallel_loop3A_392 = arith.index_cast %parallel_loop3A_391 : i32 to index
        %parallel_loop3A_393 = arith.constant 16 : index
        %parallel_loop3A_394 = tpu.vector_load %arg9[%parallel_loop3A_392, %parallel_loop3A_393] {strides = array<i32>} : memref<256x32xf32, #tpu.memory_space<vmem>>, vector<16xf32>,
        %parallel_loop3A_395 = arith.constant 5.65685415 : f32
        %parallel_loop3A_396 = vector.broadcast %parallel_loop3A_395 : f32 to vector<16xf32>
        %parallel_loop3A_397 = arith.mulf %parallel_loop3A_394, %parallel_loop3A_396 : vector<16xf32>
        tpu.vector_store_idx %arg13[%broadcast_in_dim3A_21, %div3A_13, %rem3A_18, %parallel_loop3A_365], %parallel_loop3A_397 : memref<2x4x8x129xf32, #tpu.memory_space<vmem>>[vector<16xi32>, vector<16xi32>, vector<16xi32>, vector<16xi32>], vector<16xf32>,
      } {sc.loop_unroll_factor = 4 : i64, sc.parallel_access}
      %mul3A_335 = arith.constant 2 : i32
      %mul3A_336 = arith.muli %add3A_320, %mul3A_335 : i32
      %dma_start3A_337 = arith.constant 0 : i32
      %dma_start3A_338 = arith.constant 0 : i32
      %dma_start3A_339 = arith.constant 0 : i32
      %dma_start3A_340 = arith.constant 0 : i32
      %dma_start3A_341 = tpu.memref_slice %arg13[%dma_start3A_337, %dma_start3A_338, %dma_start3A_339, %dma_start3A_340] : memref<2x4x8x129xf32, #tpu.memory_space<vmem>> -> memref<2x4x8x128xf32, #tpu.memory_space<vmem>>
      %dma_start3A_342 = arith.constant 0 : i32
      %dma_start3A_343 = arith.constant 0 : i32
      %dma_start3A_344 = arith.constant 0 : i32
      %dma_start3A_345 = tpu.memref_slice %arg4[%mul3A_336, %dma_start3A_342, %add3A, %dma_start3A_343, %dma_start3A_344] : memref<200x4x32x8x128xf32, #tpu.memory_space<hbm>> -> memref<2x4x1x8x128xf32, #tpu.memory_space<hbm>>
      %dma_start3A_346 = tpu.memref_squeeze %dma_start3A_345 : memref<2x4x1x8x128xf32, #tpu.memory_space<hbm>> -> memref<2x4x8x128xf32, #tpu.memory_space<hbm>>
      %dma_start3A_347 = arith.constant 0 : i32
      %dma_start3A_348 = arith.constant 0 : i32
      %dma_start3A_349 = arith.constant 0 : i32
      %dma_start3A_350 = tpu.memref_slice %arg4[%mul3A_336, %dma_start3A_347, %add3A, %dma_start3A_348, %dma_start3A_349] : memref<200x4x32x8x128xf32, #tpu.memory_space<hbm>> -> memref<2x4x1x8x128xf32, #tpu.memory_space<hbm>>
      %dma_start3A_351 = tpu.memref_squeeze %dma_start3A_350 : memref<2x4x1x8x128xf32, #tpu.memory_space<hbm>> -> memref<2x4x8x128xf32, #tpu.memory_space<hbm>>
      %dma_start3A_352 = arith.constant 0 : i32
      %dma_start3A_353 = arith.constant 0 : i32
      %dma_start3A_354 = arith.constant 0 : i32
      %dma_start3A_355 = arith.constant 0 : i32
      %dma_start3A_356 = tpu.memref_slice %arg13[%dma_start3A_352, %dma_start3A_353, %dma_start3A_354, %dma_start3A_355] : memref<2x4x8x129xf32, #tpu.memory_space<vmem>> -> memref<2x4x8x128xf32, #tpu.memory_space<vmem>>
      tpu.enqueue_dma source(%dma_start3A_356 : memref<2x4x8x128xf32, #tpu.memory_space<vmem>>) target(%dma_start3A_351 : memref<2x4x8x128xf32, #tpu.memory_space<hbm>>) target_semaphore(%arg21 : memref<!tpu.dma_semaphore, #tpu.memory_space<semaphore_mem>>)
      %add3A_357 = arith.constant 3 : i32
      %add3A_358 = arith.addi %add3A_320, %add3A_357 : i32
      %lt3A_359 = arith.constant 100 : i32
      %lt3A_360 = arith.cmpi slt, %add3A_358, %lt3A_359 : i32
      %convert_element_type3A_361 = arith.extui %lt3A_360 : i1 to i32
      %cond3A_362 = arith.constant 0 : i32
      %cond3A_363 = arith.cmpi ne, %convert_element_type3A_361, %cond3A_362 : i32
      scf.if %cond3A_363 {
        %add3A_364 = arith.constant 3 : i32
        %add3A_365 = arith.addi %add3A_320, %add3A_364 : i32
        %mul3A_366 = arith.constant 2 : i32
        %mul3A_367 = arith.muli %add3A_365, %mul3A_366 : i32
        %add3A_368 = arith.constant 0 : i32
        %add3A_369 = arith.addi %mul3A_367, %add3A_368 : i32
        %dma_start3A_370 = arith.constant 0 : i32
        %dma_start3A_371 = arith.constant 0 : i32
        %dma_start3A_372 = tpu.memref_slice %arg8[%dma_start3A_370, %dma_start3A_371] : memref<256x32xf32, #tpu.memory_space<vmem>> -> memref<128x32xf32, #tpu.memory_space<vmem>>
        %dma_start3A_373 = arith.constant 0 : i32
        %dma_start3A_374 = tpu.memref_slice %arg5[%add3A_369, %dma_start3A_373] : memref<200x128xi32, #tpu.memory_space<vmem>> -> memref<1x128xi32, #tpu.memory_space<vmem>>
        %dma_start3A_375 = tpu.memref_squeeze %dma_start3A_374 : memref<1x128xi32, #tpu.memory_space<vmem>> -> memref<128xi32, #tpu.memory_space<vmem>>
        %dma_start3A_376 = arith.constant 0 : i32
        %dma_start3A_377 = arith.constant 0 : i32
        %dma_start3A_378 = tpu.memref_slice %arg2[%dma_start3A_376, %dma_start3A_377] : memref<1000000x32xf32, #tpu.memory_space<hbm>> -> memref<1000000x32xf32, #tpu.memory_space<hbm>>
        tpu.enqueue_indirect_dma source(%dma_start3A_378 : memref<1000000x32xf32, #tpu.memory_space<hbm>>) target(%dma_start3A_372 : memref<128x32xf32, #tpu.memory_space<vmem>>) offsets(%dma_start3A_375 : memref<128xi32, #tpu.memory_space<vmem>>) semaphore(%arg16 : memref<!tpu.dma_semaphore, #tpu.memory_space<semaphore_mem>>)
        %mul3A_379 = arith.constant 2 : i32
        %mul3A_380 = arith.muli %add3A_365, %mul3A_379 : i32
        %add3A_381 = arith.constant 1 : i32
        %add3A_382 = arith.addi %mul3A_380, %add3A_381 : i32
        %dma_start3A_383 = arith.constant 128 : i32
        %dma_start3A_384 = arith.constant 0 : i32
        %dma_start3A_385 = tpu.memref_slice %arg8[%dma_start3A_383, %dma_start3A_384] : memref<256x32xf32, #tpu.memory_space<vmem>> -> memref<128x32xf32, #tpu.memory_space<vmem>>
        %dma_start3A_386 = arith.constant 0 : i32
        %dma_start3A_387 = tpu.memref_slice %arg5[%add3A_382, %dma_start3A_386] : memref<200x128xi32, #tpu.memory_space<vmem>> -> memref<1x128xi32, #tpu.memory_space<vmem>>
        %dma_start3A_388 = tpu.memref_squeeze %dma_start3A_387 : memref<1x128xi32, #tpu.memory_space<vmem>> -> memref<128xi32, #tpu.memory_space<vmem>>
        %dma_start3A_389 = arith.constant 0 : i32
        %dma_start3A_390 = arith.constant 0 : i32
        %dma_start3A_391 = tpu.memref_slice %arg2[%dma_start3A_389, %dma_start3A_390] : memref<1000000x32xf32, #tpu.memory_space<hbm>> -> memref<1000000x32xf32, #tpu.memory_space<hbm>>
        tpu.enqueue_indirect_dma source(%dma_start3A_391 : memref<1000000x32xf32, #tpu.memory_space<hbm>>) target(%dma_start3A_385 : memref<128x32xf32, #tpu.memory_space<vmem>>) offsets(%dma_start3A_388 : memref<128xi32, #tpu.memory_space<vmem>>) semaphore(%arg16 : memref<!tpu.dma_semaphore, #tpu.memory_space<semaphore_mem>>)
      } else {
      }
    }
    %scan3A_84 = arith.constant 25 : i32
    %dma_wait3A = arith.constant 0 : i32
    %dma_wait3A_85 = arith.constant 0 : i32
    %dma_wait3A_86 = arith.constant 0 : i32
    %dma_wait3A_87 = arith.constant 0 : i32
    %dma_wait3A_88 = arith.constant 0 : i32
    %dma_wait3A_89 = tpu.memref_slice %arg10[%dma_wait3A_85, %dma_wait3A_86, %dma_wait3A_87, %dma_wait3A_88] : memref<2x4x8x129xf32, #tpu.memory_space<vmem>> -> memref<2x4x8x128xf32, #tpu.memory_space<vmem>>
    %dma_wait3A_90 = arith.constant 0 : i32
    %dma_wait3A_91 = arith.constant 0 : i32
    %dma_wait3A_92 = arith.constant 0 : i32
    %dma_wait3A_93 = arith.constant 0 : i32
    %dma_wait3A_94 = tpu.memref_slice %arg4[%dma_wait3A_90, %dma_wait3A_91, %dma_wait3A, %dma_wait3A_92, %dma_wait3A_93] : memref<200x4x32x8x128xf32, #tpu.memory_space<hbm>> -> memref<2x4x1x8x128xf32, #tpu.memory_space<hbm>>
    %dma_wait3A_95 = tpu.memref_squeeze %dma_wait3A_94 : memref<2x4x1x8x128xf32, #tpu.memory_space<hbm>> -> memref<2x4x8x128xf32, #tpu.memory_space<hbm>>
    %dma_wait3A_96 = arith.constant 0 : i32
    %dma_wait3A_97 = arith.constant 0 : i32
    %dma_wait3A_98 = arith.constant 0 : i32
    %dma_wait3A_99 = arith.constant 0 : i32
    %dma_wait3A_100 = tpu.memref_slice %arg4[%dma_wait3A_96, %dma_wait3A_97, %dma_wait3A, %dma_wait3A_98, %dma_wait3A_99] : memref<200x4x32x8x128xf32, #tpu.memory_space<hbm>> -> memref<2x4x1x8x128xf32, #tpu.memory_space<hbm>>
    %dma_wait3A_101 = tpu.memref_squeeze %dma_wait3A_100 : memref<2x4x1x8x128xf32, #tpu.memory_space<hbm>> -> memref<2x4x8x128xf32, #tpu.memory_space<hbm>>
    %dma_wait3A_102 = arith.constant 0 : i32
    %dma_wait3A_103 = arith.constant 0 : i32
    %dma_wait3A_104 = arith.constant 0 : i32
    %dma_wait3A_105 = arith.constant 0 : i32
    %dma_wait3A_106 = tpu.memref_slice %arg10[%dma_wait3A_102, %dma_wait3A_103, %dma_wait3A_104, %dma_wait3A_105] : memref<2x4x8x129xf32, #tpu.memory_space<vmem>> -> memref<2x4x8x128xf32, #tpu.memory_space<vmem>>
    tpu.wait_dma2 semaphore(%arg18 : memref<!tpu.dma_semaphore, #tpu.memory_space<semaphore_mem>>) src(%dma_wait3A_106 : memref<2x4x8x128xf32, #tpu.memory_space<vmem>>) dst(%dma_wait3A_101 : memref<2x4x8x128xf32, #tpu.memory_space<hbm>>)
    %dma_wait3A_107 = arith.constant 0 : i32
    %dma_wait3A_108 = arith.constant 0 : i32
    %dma_wait3A_109 = arith.constant 0 : i32
    %dma_wait3A_110 = arith.constant 0 : i32
    %dma_wait3A_111 = arith.constant 0 : i32
    %dma_wait3A_112 = tpu.memref_slice %arg11[%dma_wait3A_108, %dma_wait3A_109, %dma_wait3A_110, %dma_wait3A_111] : memref<2x4x8x129xf32, #tpu.memory_space<vmem>> -> memref<2x4x8x128xf32, #tpu.memory_space<vmem>>
    %dma_wait3A_113 = arith.constant 0 : i32
    %dma_wait3A_114 = arith.constant 0 : i32
    %dma_wait3A_115 = arith.constant 0 : i32
    %dma_wait3A_116 = arith.constant 0 : i32
    %dma_wait3A_117 = tpu.memref_slice %arg4[%dma_wait3A_113, %dma_wait3A_114, %dma_wait3A_107, %dma_wait3A_115, %dma_wait3A_116] : memref<200x4x32x8x128xf32, #tpu.memory_space<hbm>> -> memref<2x4x1x8x128xf32, #tpu.memory_space<hbm>>
    %dma_wait3A_118 = tpu.memref_squeeze %dma_wait3A_117 : memref<2x4x1x8x128xf32, #tpu.memory_space<hbm>> -> memref<2x4x8x128xf32, #tpu.memory_space<hbm>>
    %dma_wait3A_119 = arith.constant 0 : i32
    %dma_wait3A_120 = arith.constant 0 : i32
    %dma_wait3A_121 = arith.constant 0 : i32
    %dma_wait3A_122 = arith.constant 0 : i32
    %dma_wait3A_123 = tpu.memref_slice %arg4[%dma_wait3A_119, %dma_wait3A_120, %dma_wait3A_107, %dma_wait3A_121, %dma_wait3A_122] : memref<200x4x32x8x128xf32, #tpu.memory_space<hbm>> -> memref<2x4x1x8x128xf32, #tpu.memory_space<hbm>>
    %dma_wait3A_124 = tpu.memref_squeeze %dma_wait3A_123 : memref<2x4x1x8x128xf32, #tpu.memory_space<hbm>> -> memref<2x4x8x128xf32, #tpu.memory_space<hbm>>
    %dma_wait3A_125 = arith.constant 0 : i32
    %dma_wait3A_126 = arith.constant 0 : i32
    %dma_wait3A_127 = arith.constant 0 : i32
    %dma_wait3A_128 = arith.constant 0 : i32
    %dma_wait3A_129 = tpu.memref_slice %arg11[%dma_wait3A_125, %dma_wait3A_126, %dma_wait3A_127, %dma_wait3A_128] : memref<2x4x8x129xf32, #tpu.memory_space<vmem>> -> memref<2x4x8x128xf32, #tpu.memory_space<vmem>>
    tpu.wait_dma2 semaphore(%arg19 : memref<!tpu.dma_semaphore, #tpu.memory_space<semaphore_mem>>) src(%dma_wait3A_129 : memref<2x4x8x128xf32, #tpu.memory_space<vmem>>) dst(%dma_wait3A_124 : memref<2x4x8x128xf32, #tpu.memory_space<hbm>>)
    %dma_wait3A_130 = arith.constant 0 : i32
    %dma_wait3A_131 = arith.constant 0 : i32
    %dma_wait3A_132 = arith.constant 0 : i32
    %dma_wait3A_133 = arith.constant 0 : i32
    %dma_wait3A_134 = arith.constant 0 : i32
    %dma_wait3A_135 = tpu.memref_slice %arg12[%dma_wait3A_131, %dma_wait3A_132, %dma_wait3A_133, %dma_wait3A_134] : memref<2x4x8x129xf32, #tpu.memory_space<vmem>> -> memref<2x4x8x128xf32, #tpu.memory_space<vmem>>
    %dma_wait3A_136 = arith.constant 0 : i32
    %dma_wait3A_137 = arith.constant 0 : i32
    %dma_wait3A_138 = arith.constant 0 : i32
    %dma_wait3A_139 = arith.constant 0 : i32
    %dma_wait3A_140 = tpu.memref_slice %arg4[%dma_wait3A_136, %dma_wait3A_137, %dma_wait3A_130, %dma_wait3A_138, %dma_wait3A_139] : memref<200x4x32x8x128xf32, #tpu.memory_space<hbm>> -> memref<2x4x1x8x128xf32, #tpu.memory_space<hbm>>
    %dma_wait3A_141 = tpu.memref_squeeze %dma_wait3A_140 : memref<2x4x1x8x128xf32, #tpu.memory_space<hbm>> -> memref<2x4x8x128xf32, #tpu.memory_space<hbm>>
    %dma_wait3A_142 = arith.constant 0 : i32
    %dma_wait3A_143 = arith.constant 0 : i32
    %dma_wait3A_144 = arith.constant 0 : i32
    %dma_wait3A_145 = arith.constant 0 : i32
    %dma_wait3A_146 = tpu.memref_slice %arg4[%dma_wait3A_142, %dma_wait3A_143, %dma_wait3A_130, %dma_wait3A_144, %dma_wait3A_145] : memref<200x4x32x8x128xf32, #tpu.memory_space<hbm>> -> memref<2x4x1x8x128xf32, #tpu.memory_space<hbm>>
    %dma_wait3A_147 = tpu.memref_squeeze %dma_wait3A_146 : memref<2x4x1x8x128xf32, #tpu.memory_space<hbm>> -> memref<2x4x8x128xf32, #tpu.memory_space<hbm>>
    %dma_wait3A_148 = arith.constant 0 : i32
    %dma_wait3A_149 = arith.constant 0 : i32
    %dma_wait3A_150 = arith.constant 0 : i32
    %dma_wait3A_151 = arith.constant 0 : i32
    %dma_wait3A_152 = tpu.memref_slice %arg12[%dma_wait3A_148, %dma_wait3A_149, %dma_wait3A_150, %dma_wait3A_151] : memref<2x4x8x129xf32, #tpu.memory_space<vmem>> -> memref<2x4x8x128xf32, #tpu.memory_space<vmem>>
    tpu.wait_dma2 semaphore(%arg20 : memref<!tpu.dma_semaphore, #tpu.memory_space<semaphore_mem>>) src(%dma_wait3A_152 : memref<2x4x8x128xf32, #tpu.memory_space<vmem>>) dst(%dma_wait3A_147 : memref<2x4x8x128xf32, #tpu.memory_space<hbm>>)
    %dma_wait3A_153 = arith.constant 0 : i32
    %dma_wait3A_154 = arith.constant 0 : i32
    %dma_wait3A_155 = arith.constant 0 : i32
    %dma_wait3A_156 = arith.constant 0 : i32
    %dma_wait3A_157 = arith.constant 0 : i32
    %dma_wait3A_158 = tpu.memref_slice %arg13[%dma_wait3A_154, %dma_wait3A_155, %dma_wait3A_156, %dma_wait3A_157] : memref<2x4x8x129xf32, #tpu.memory_space<vmem>> -> memref<2x4x8x128xf32, #tpu.memory_space<vmem>>
    %dma_wait3A_159 = arith.constant 0 : i32
    %dma_wait3A_160 = arith.constant 0 : i32
    %dma_wait3A_161 = arith.constant 0 : i32
    %dma_wait3A_162 = arith.constant 0 : i32
    %dma_wait3A_163 = tpu.memref_slice %arg4[%dma_wait3A_159, %dma_wait3A_160, %dma_wait3A_153, %dma_wait3A_161, %dma_wait3A_162] : memref<200x4x32x8x128xf32, #tpu.memory_space<hbm>> -> memref<2x4x1x8x128xf32, #tpu.memory_space<hbm>>
    %dma_wait3A_164 = tpu.memref_squeeze %dma_wait3A_163 : memref<2x4x1x8x128xf32, #tpu.memory_space<hbm>> -> memref<2x4x8x128xf32, #tpu.memory_space<hbm>>
    %dma_wait3A_165 = arith.constant 0 : i32
    %dma_wait3A_166 = arith.constant 0 : i32
    %dma_wait3A_167 = arith.constant 0 : i32
    %dma_wait3A_168 = arith.constant 0 : i32
    %dma_wait3A_169 = tpu.memref_slice %arg4[%dma_wait3A_165, %dma_wait3A_166, %dma_wait3A_153, %dma_wait3A_167, %dma_wait3A_168] : memref<200x4x32x8x128xf32, #tpu.memory_space<hbm>> -> memref<2x4x1x8x128xf32, #tpu.memory_space<hbm>>
    %dma_wait3A_170 = tpu.memref_squeeze %dma_wait3A_169 : memref<2x4x1x8x128xf32, #tpu.memory_space<hbm>> -> memref<2x4x8x128xf32, #tpu.memory_space<hbm>>
    %dma_wait3A_171 = arith.constant 0 : i32
    %dma_wait3A_172 = arith.constant 0 : i32
    %dma_wait3A_173 = arith.constant 0 : i32
    %dma_wait3A_174 = arith.constant 0 : i32
    %dma_wait3A_175 = tpu.memref_slice %arg13[%dma_wait3A_171, %dma_wait3A_172, %dma_wait3A_173, %dma_wait3A_174] : memref<2x4x8x129xf32, #tpu.memory_space<vmem>> -> memref<2x4x8x128xf32, #tpu.memory_space<vmem>>
    tpu.wait_dma2 semaphore(%arg21 : memref<!tpu.dma_semaphore, #tpu.memory_space<semaphore_mem>>) src(%dma_wait3A_175 : memref<2x4x8x128xf32, #tpu.memory_space<vmem>>) dst(%dma_wait3A_170 : memref<2x4x8x128xf32, #tpu.memory_space<hbm>>)
    return
  }
}

</mosaic_0001>

<sc_bundles>
// kernel: kernel.3.cloned.1.call-start
scs
__scs_entry_jumppad:
0x0: {  	(pc) =	sbr.rel $0x88, $3  }
0x1: {  	(tag) =	ssettag $0x0;
	lr =	simm.s32 $0x1  }
0x2: {  	[smem:$0x3F9F] =	sst lr;
	_ =	strace $0xD0000000  }
0x3: {  	_ = 	snop  }
0x4: {  	_ = 	snop  }
0x5: {  	_ = 	snop  }
0x6: {  	_ = 	snop  }
0x7: {  	_ = 	snop  }
__scs_overlays_trampoline_lowered:
0x8: {  	[smem:$0x3FAE] =	sst s0  }
0x9: {  	[smem:$0x3FAF] =	sst s1  }
0xa: {  	[smem:$0x3FB0] =	sst s2  }
0xb: {  	[smem:$0x3FB1] =	sst s3  }
0xc: {  	[smem:$0x3FB2] =	sst s4  }
0xd: {  	[smem:$0x3FB3] =	sst s5  }
0xe: {  	[smem:$0x3FB4] =	sst s6  }
0xf: {  	[smem:$0x3FB5] =	sst s7  }
0x10: {  	[smem:$0x3FB6] =	sst s8  }
0x11: {  	[smem:$0x3FB7] =	sst s9;
	s0 =	simm.s32 @!p0 $0x0  }
0x12: {  	s1 =	sld [smem:$0x3F9D];
	s0 =	simm.s32 @p0 $0x1  }
0x13: {  	[smem:$0x3FB8] =	sst s0;
	s0 =	simm.s32 @!p1 $0x0  }
0x14: {  	s2 =	sld [smem:$0x3F9C];
	s0 =	simm.s32 @p1 $0x1  }
0x15: {  	[smem:$0x3FB9] =	sst s0;
	s0 =	simm.s32 @!p2 $0x0  }
0x16: {  	s3 =	sld [smem:$0x3FDB];
	s0 =	simm.s32 @p2 $0x1  }
0x17: {  	s4 =	simm.s32 $0x1BF5;
	[smem:$0x3FBB] =	sst s0  }
0x18: {  	s0 =	sld [smem:$0x3F9E];
	_ =	swait.ge [sflag:s4], $0x0  }
0x19: {  	s7 =	sld [smem:$0x3F9F]  }
0x1a: {  	s8 =	sadd.s32 $0xFFFFE003, lr  }
0x1b: {  	s9 =	sadd.s32 $0xFFFFFEF7, lr;
	s5 =	simm.s32 $0xFFFFFFFF;
	p2 =	slt.u32 s8, $0xFFFFF086  }
0x1c: {  	p1 =	slt.u32 s9, $0xF7A;
	s5 =	simm.s32 @!p2 $0x0  }
0x1d: {  	s5 =	simm.s32 @p1 $0x1;
	p0 =	seq.s32 s7, s2  }
0x1e: {  	s7 =	smul.u32 @!p0 $0xF7A, s2;
	p2 =	seq.s32 @!p0 s5, $0x0  }
0x1f: {  	s9 =	smul.u32 $0xF7A, s1;
	s8 =	simm.s32 @!p0 $0x1BF5;
	p2 =	por !p2, p0  }
0x20: {  	[sflag:s8] =	ssyncset.s32 @!p0 $0xFFFFF086;
	s6 =	sadd.s32 @!p0 s3, s7;
	s7 =	simm.s32 @!p0 $0x108  }
0x21: {  	s3 =	sadd.s32 s3, s9;
	s6 =	sadd.s32 @!p0 $0x88, s6;
	s7 =	simm.s32 @p2 $0x1082  }
0x22: {  	[simem:s7], [sflag:s8] =	dma.local @!p0 [hbm:s6], $0xF7A  }
0x23: {  	s9 =	sor.u32 $0xD0000000, s2;
	s6 =	simm.s32 $0x108;
	_ =	swait.ge @!p0 [sflag:s8], $0x0  }
0x24: {  	s3 =	sadd.s32 $0x88, s3;
	s6 =	simm.s32 @!p1 $0x1082;
	[sflag:s4] =	ssyncset.s32 $0xFFFFF086  }
0x25: {  	[simem:s6], [sflag:s4] =	dma.local [hbm:s3], $0xF7A  }
0x26: {  	[smem:$0x3F9F] =	sst s1;
	(tag) =	ssettag s2;
	_ =	strace s9  }
0x27: {  	s1 =	sld [smem:$0x3FAF]  }
0x28: {  	s2 =	sld [smem:$0x3FB0]  }
0x29: {  	s4 =	sld [smem:$0x3FB2]  }
0x2a: {  	p0 =	seq.s32 s5, $0x0;
	s5 =	sld [smem:$0x3FB3]  }
0x2b: {  	s6 =	sld [smem:$0x3FB4]  }
0x2c: {  	s7 =	sld [smem:$0x3FB5]  }
0x2d: {  	s3 =	simm.s32 $0x108;
	s8 =	sld [smem:$0x3FB6]  }
0x2e: {  	s3 =	simm.s32 @!p0 $0x1082;
	s9 =	sld [smem:$0x3FB7]  }
0x2f: {  	lr =	sadd.s32 s0, s3;
	s0 =	sld [smem:$0x3FAE]  }
0x30: {  	s3 =	sld [smem:$0x3FB1]  }
0x31: {  	[smem:$0x3FBA] =	sst s10  }
0x32: {  	s10 =	sld [smem:$0x3FB8];
	_ =	sdelay $0x3  }
0x33: {  	p0 =	seq.s32 s10, $0x1;
	s10 =	sld [smem:$0x3FBA];
	_ =	sdelay $0x3  }
0x34: {  	[smem:$0x3FBA] =	sst s10  }
0x35: {  	s10 =	sld [smem:$0x3FB9];
	_ =	sdelay $0x3  }
0x36: {  	p1 =	seq.s32 s10, $0x1;
	s10 =	sld [smem:$0x3FBA];
	_ =	sdelay $0x3  }
0x37: {  	[smem:$0x3FBA] =	sst s10  }
0x38: {  	s10 =	sld [smem:$0x3FBB]  }
0x39: {  	_ = 	snop;
	(pc) =	sbr.ind lr, $3  }
0x3a: {  	_ = 	snop  }
0x3b: {  	_ = 	snop  }
0x3c: {  	p2 =	seq.s32 s10, $0x1;
	s10 =	sld [smem:$0x3FBA]  }
0x3d: {  	_ =	shalt  }
0x3e: {  	_ =	shalt  }
0x3f: {  	_ =	shalt  }
0x40: {  	_ =	shalt  }
0x41: {  	_ =	shalt  }
0x42: {  	_ =	shalt  }
0x43: {  	_ =	shalt  }
0x44: {  	_ =	shalt  }
0x45: {  	_ =	shalt  }
0x46: {  	_ =	shalt  }
0x47: {  	_ =	shalt  }
0x48: {  	_ =	shalt  }
0x49: {  	_ =	shalt  }
0x4a: {  	_ =	shalt  }
0x4b: {  	_ =	shalt  }
0x4c: {  	_ =	shalt  }
0x4d: {  	_ =	shalt  }
0x4e: {  	_ =	shalt  }
0x4f: {  	_ =	shalt  }
0x50: {  	_ =	shalt  }
0x51: {  	_ =	shalt  }
0x52: {  	_ =	shalt  }
0x53: {  	_ =	shalt  }
0x54: {  	_ =	shalt  }
0x55: {  	_ =	shalt  }
0x56: {  	_ =	shalt  }
0x57: {  	_ =	shalt  }
0x58: {  	_ =	shalt  }
0x59: {  	_ =	shalt  }
0x5a: {  	_ =	shalt  }
0x5b: {  	_ =	shalt  }
0x5c: {  	_ =	shalt  }
0x5d: {  	_ =	shalt  }
0x5e: {  	_ =	shalt  }
0x5f: {  	_ =	shalt  }
0x60: {  	_ =	shalt  }
0x61: {  	_ =	shalt  }
0x62: {  	_ =	shalt  }
0x63: {  	_ =	shalt  }
0x64: {  	_ =	shalt  }
0x65: {  	_ =	shalt  }
0x66: {  	_ =	shalt  }
0x67: {  	_ =	shalt  }
0x68: {  	_ =	shalt  }
0x69: {  	_ =	shalt  }
0x6a: {  	_ =	shalt  }
0x6b: {  	_ =	shalt  }
0x6c: {  	_ =	shalt  }
0x6d: {  	_ =	shalt  }
0x6e: {  	_ =	shalt  }
0x6f: {  	_ =	shalt  }
0x70: {  	_ =	shalt  }
0x71: {  	_ =	shalt  }
0x72: {  	_ =	shalt  }
0x73: {  	_ =	shalt  }
0x74: {  	_ =	shalt  }
0x75: {  	_ =	shalt  }
0x76: {  	_ =	shalt  }
0x77: {  	_ =	shalt  }
0x78: {  	_ =	shalt  }
0x79: {  	_ =	shalt  }
0x7a: {  	_ =	shalt  }
0x7b: {  	_ =	shalt  }
0x7c: {  	_ =	shalt  }
0x7d: {  	_ =	shalt  }
0x7e: {  	_ =	shalt  }
0x7f: {  	_ =	shalt  }
0x80: {  	_ =	shalt  }
0x81: {  	_ =	shalt  }
0x82: {  	_ =	shalt  }
0x83: {  	_ =	shalt  }
0x84: {  	_ =	shalt  }
0x85: {  	_ =	shalt  }
0x86: {  	_ =	shalt  }
0x87: {  	_ =	shalt  }
.Lfunc_end0:
.L_simem_size_0:
called_computation_lowered:
.L_overlay_start_0:
0x88: {  	s2 =	sld [smem:$0x3FD9]  }
0x89: {  	s3 =	sld [smem:$0x3FFE];
	_ =	sdelay $0x1  }
0x8a: {  	s1 =	srdreg.scid  }
0x8b: {  	s0 =	sand.u32 $0x1, s1  }
0x8c: {  	s17 =	sshll.u32 s0, $0xA;
	s2 =	sadd.s32 s3, s2  }
0x8d: {  	s2 =	sadd.s32 s2, s17  }
0x8e: {  	[smem:$0x3FC6] =	sst s2  }
0x8f: {  	_ = 	snop  }
0x90: {  	s2 =	sld [smem:$0x3FD0];
	(tm) =	ssettm $0x1  }
0x91: {  	s18 =	sld [smem:$0x3FFB];
	_ =	sdelay $0x3  }
0x92: {  	_ =	strace s18  }
0x93: {  	s3 =	sld [smem:$0x3FFC];
	_ =	sdelay $0x3  }
0x94: {  	_ =	strace s3  }
0x95: {  	s3 =	sld [smem:$0x3FFD];
	_ =	sdelay $0x3  }
0x96: {  	_ =	strace s3  }
0x97: {  	_ =	strace $0x8FFFFFFF  }
0x98: {  	s19 =	sld [smem:$0x3FDB];
	_ =	sdelay $0x1  }
0x99: {  	s4 =	simm.s32 $_scs_section_size  }
0x9a: {  	s5 =	simm.s32 $_size__tile_overlayer_lowered;
	s6 =	simm.s32 $_tile_overlayer_lowered  }
0x9b: {  	s22 =	simm.s32 $0x1BFF;
	s21 =	sshll.u32 s6, $0x1;
	s3 =	sadd.s32 s4, s19  }
0x9c: {  	s7 =	simm.s32 $0x0;
	s20 =	sshll.u32 s5, $0x1;
	s5 =	sadd.s32 s21, s3  }
0x9d: {  	[timem:s7], [sflag:s22] =	dma.local [hbm:s5], s20  }
0x9e: {  	_ =	swait.ge [sflag:s22], s20  }
0x9f: {  	s4 =	ssub.s32 $0x0, s20;
	[sflag:s22] =	ssyncset.done $0x0  }
0xa0: {  	[sflag:s22] =	ssyncadd.s32 s4;
	_ =	sdelay $0x1  }
0xa1: {  	s23 =	simm.s32 $0x1B8B  }
0xa2: {  	_ =	swait.ge [sflag:s23], $0x1  }
0xa3: {  	[sflag:s23] =	ssyncset.done $0x0  }
0xa4: {  	s25 =	simm.s32 $0x1B8E;
	s24 =	sld [smem:$0x3FFE];
	[sflag:s23] =	ssyncadd.s32 $0xFFFFFFFF  }
0xa5: {  	s26 =	simm.s32 $execute0_lowered;
	[smem:$0x3FD2] =	sst s25  }
0xa6: {  	s5 =	sshll.u32 s26, $0x1;
	_ =	strace $0x80000046;
	[dreg:$0x1] =	wrdreg $0xFFFFFFFF  }
0xa7: {  	s28 =	simm.s32 $_size_execute0_lowered;
	s3 =	sadd.s32 s3, s5;
	[dreg:$0x0] =	wrdreg $0x0  }
0xa8: {  	s5 =	sshll.u32 s28, $0x1;
	[dreg:$0x2] =	wrdreg s3  }
0xa9: {  	[dreg:$0x3] =	wrdreg s5  }
0xaa: {  	[dreg:$0x4] =	wrdreg $0xC0  }
0xab: {  	_ =	task [dreg:s7], $0x5FFFF  }
0xac: {  	[dreg:$0x1] =	wrdreg $0xFFFFFFFF  }
0xad: {  	[dreg:$0x0] =	wrdreg $0x60  }
0xae: {  	[dreg:$0x2] =	wrdreg s24  }
0xaf: {  	[dreg:$0x3] =	wrdreg s2  }
0xb0: {  	[dreg:$0x4] =	wrdreg $0x9  }
0xb1: {  	_ =	task.clear_ibuf [dreg:s7], $0x5FFFF;
	_ =	strace $0x90000046  }
0xb2: {  	s29 =	simm.s32 $0x9;
	_ =	strace $0x80000048  }
0xb3: {  	_ =	swait.ge [sflag:s29], $0x1  }
0xb4: {  	[sflag:s29] =	ssyncadd.s32 $0xFFFFFFFF  }
0xb5: {  	_ =	strace $0x90000048  }
0xb6: {  	_ =	sfence  }
0xb7: {  	s30 =	sld [smem:$0x0];
	_ =	sdelay $0x2  }
0xb8: {  	s31 =	sshll.u32 s1, $0xD;
	s1 =	sshrl.u32 s1, $0x2  }
0xb9: {  	s3 =	sand.u32 $0x4000, s31;
	s1 =	sadd.s32 s1, s30  }
0xba: {  	s0 =	sor.u32 s3, s0;
	s1 =	sshll.u32 s1, $0x11  }
0xbb: {  	s0 =	sor.u32 s1, s0  }
0xbc: {  	s0 =	sadd.s32 $0x8F2B, s0  }
0xbd: {  	[sflag:s0] =	ssyncadd.remote.s32 $0x1  }
0xbe: {  	_ =	sfence.sel $0xFFFF  }
0xbf: {  	[dreg:$0x0] =	wrdreg $0xFFFFFFFF;
	(pc) =	sbr.abs _section_cstart, $3  }
0xc0: {  	[dreg:$0x1] =	wrdreg $0xFFFFFFFF  }
0xc1: {  	_ =	task.clear_ibuf [dreg:s7], $0x2FFFF;
	_ =	strace $0x9FFFFFFF  }
0xc2: {  	(tm) =	ssettm $0x7FFFFFFF  }
0xc3: {  	_ =	shalt  }
tec
execute0_lowered:
.L_overlay_start_1:
0x0: {  	(tag) =	ssettag $0x1  }
0x1: {  	s0 =	rddreg [dreg:$0x0]  }
0x2: {  	s2 =	rddreg [dreg:$0x1]  }
0x3: {  	s1 =	srdreg.scid;
	s4 =	stileid.u32;
	s3 =	simm.s32 $0x0  }
0x4: {  	s10 =	simm.s32 $0x80;
	s18 =	simm.s32 $0x9400;
	s20 =	simm.s32 $0xA400  }
0x5: {  	s22 =	simm.s32 $0xB400;
	s23 =	simm.s32 $0x1;
	s24 =	simm.s32 $0xE400  }
0x6: {  	s25 =	simm.s32 $0xC400;
	s28 =	simm.s32 $0x2;
	s29 =	simm.s32 $0x10600  }
0x7: {  	s30 =	simm.s32 $0x3;
	s31 =	simm.s32 $0x7;
	s11 =	simm.s32 $0x8  }
0x8: {  	s15 =	simm.s32 $0x14A00;
	s9 =	simm.s32 $0x0;
	s1 =	sand.u32 $0x1, s1  }
0x9: {  	s4 =	sshll.u32 s4, $0x1;
	[smem:$0x7FF] =	sst s3;
	s8 =	sadd.s32 $0x10000, s2  }
0xa: {  	s5 =	sor.u32 s1, s4;
	s1 =	ssub.s32 $0x2, s1;
	_ =	strace $0x80000047  }
.Ltmp0:
0xb: {  	s6 =	sshll.u32 s5, $0x4;
	s7 =	sshrl.u32 s1, $0x1;
	(pc) =	sbr.rel .LBB2_1-.Ltmp0, $4  }
0xc: {  	v0 =	vlaneseq.u32;
	s4 =	sadd.s32 $0xF42A00, s0;
	s0 =	sadd.s32 s6, s0;
	s1 =	ssub.s32 s1, s7  }
0xd: {  	v0 =	vmul.u32 $0x88, v0;
	s6 =	sshll.u32 s5, $0xA;
	s7 =	sadd.s32 $0x8000, s2;
	s0 =	sadd.s32 $0x600, s0  }
0xe: {  	s26 =	smax.u32 s1, $0x1;
	s1 =	simm.s32 $0x4;
	[dreg:$0x3] =	wrdreg s0  }
0xf: {  	v1 =	vadd.s32 $0x880, v0;
	v2 =	vadd.s32 $0x1100, v0;
	v3 =	vadd.s32 $0x1980, v0;
	[dreg:$0x4] =	wrdreg s26;
	s26 =	simm.s32 $0xD400;
	s0 =	simm.s32 $0x12800  }
.LBB2_28:
0x10: {  	s5 =	simm.s32 $0x5  }
0x11: {  	_ =	swait.ge [sflag:s5], $0x2000  }
0x12: {  	[sflag:s5] =	ssyncset.done $0x0  }
0x13: {  	s19 =	simm.s32 $0x6;
	[sflag:s5] =	ssyncadd.s32 $0xFFFFE000  }
0x14: {  	_ =	swait.ge [sflag:s19], $0x2000  }
0x15: {  	[sflag:s19] =	ssyncset.done $0x0  }
0x16: {  	[sflag:s19] =	ssyncadd.s32 $0xFFFFE000  }
0x17: {  	_ =	swait.ge [sflag:s31], $0x2000  }
0x18: {  	[sflag:s31] =	ssyncset.done $0x0  }
0x19: {  	[sflag:s31] =	ssyncadd.s32 $0xFFFFE000  }
0x1a: {  	_ =	swait.ge [sflag:s11], $0x2000  }
0x1b: {  	s9 =	rddreg [dreg:$0x5]  }
0x1c: {  	s21 =	rddreg [dreg:$0x4];
	s9 =	sadd.s32 $0x1, s9  }
0x1d: {  	p0 =	sne.s32 s9, s21  }
.Ltmp1:
0x1e: {  	_ = 	snop;
	(pc) =	sbr.rel @!p0 .LBB2_29-.Ltmp1, $3  }
0x1f: {  	_ =	sdelay $0x1  }
0x20: {  	[sflag:s11] =	ssyncset.done $0x0  }
0x21: {  	[sflag:s11] =	ssyncadd.s32 $0xFFFFE000  }
.LBB2_1:
0x22: {  	[dreg:$0x5] =	wrdreg s9  }
0x23: {  	s5 =	rddreg [dreg:$0x3];
	s21 =	simm.s32 $0x1000;
	s9 =	simm.s32 $0x9  }
0x24: {  	[tilespmem:s3], [sflag:$0x9] =	stream.strided.gather [hbm4b:s5+s10], $0x6400, s21, s10, $0x38;
	[tilespmem:$0x16C00] =	vst v63  }
0x25: {  	_ =	swait.ge [sflag:s9], $0x6400  }
0x26: {  	[sflag:s9] =	ssyncset.done $0x0  }
0x27: {  	s12 =	simm.s32 $0x6400;
	[sflag:s9] =	ssyncadd.s32 $0xFFFF9C00  }
0x28: {  	[tilespmem:s12], [sflag:$0x1] =	stream.indirect.gather [hbm4b:s4+s10], $0x20, s3, s10, $0xb8;
	[tilespmem:$0x16C00] =	vst v63  }
0x29: {  	s13 =	simm.s32 $0x7400  }
0x2a: {  	[tilespmem:s13], [sflag:$0x1] =	stream.indirect.gather [hbm4b:s4+s10], $0x20, s10, s10, $0xb8;
	[tilespmem:$0x16C00] =	vst v63  }
0x2b: {  	s14 =	simm.s32 $0x100;
	s16 =	simm.s32 $0x8400  }
0x2c: {  	[tilespmem:s16], [sflag:$0x2] =	stream.indirect.gather [hbm4b:s4+s10], $0x20, s14, s10, $0xb8;
	[tilespmem:$0x16C00] =	vst v63  }
0x2d: {  	s17 =	simm.s32 $0x180  }
0x2e: {  	[tilespmem:s18], [sflag:$0x2] =	stream.indirect.gather [hbm4b:s4+s10], $0x20, s17, s10, $0xb8;
	[tilespmem:$0x16C00] =	vst v63  }
0x2f: {  	s19 =	simm.s32 $0x200  }
0x30: {  	[tilespmem:s20], [sflag:$0x3] =	stream.indirect.gather [hbm4b:s4+s10], $0x20, s19, s10, $0xb8;
	[tilespmem:$0x16C00] =	vst v63  }
0x31: {  	s21 =	simm.s32 $0x280;
	s5 =	simm.s32 $0x0  }
0x32: {  	[tilespmem:s22], [sflag:$0x3] =	stream.indirect.gather [hbm4b:s4+s10], $0x20, s21, s10, $0xb8;
	[tilespmem:$0x16C00] =	vst v63  }
.LBB2_2:
0x33: {  	_ =	swait.ge [sflag:s23], $0x2000  }
0x34: {  	p0 =	seq.s32 s5, $0x0;
	[sflag:s23] =	ssyncset.done $0x0  }
0x35: {  	s9 =	simm.s32 @!p0 $0x5;
	[sflag:s23] =	ssyncadd.s32 $0xFFFFE000  }
0x36: {  	_ =	swait.ge @!p0 [sflag:s9], $0x2000  }
0x37: {  	[sflag:s9] =	ssyncset.done @!p0 $0x0  }
0x38: {  	s12 =	simm.s32 $0x3;
	[sflag:s9] =	ssyncadd.s32 @!p0 $0xFFFFE000;
	s9 =	simm.s32 $0x7400  }
0x39: {  	v4 =	vmov s12;
	v5 =	vld [tilespmem:s9+$0xFFFFF060]  }
0x3a: {  	v9 =	vand.u32 $0x7F, v4  }
0x3b: {  	s13 =	simm.s32 $0x0;
	v4 =	vadd.s32 v0, v9  }
0x3c: {  	s14 =	simm.s32 $0x1;
	v6 =	vmov s13;
	s13 =	simm.s32 $0x2;
	v7 =	vld [tilespmem:s9+$0xFFFFF000]  }
0x3d: {  	v8 =	vand.u32 $0x7C, v6;
	v6 =	vmov s14;
	v11 =	vmov s13;
	v10 =	vld [tilespmem:s9+$0xFFFFF020]  }
0x3e: {  	v12 =	vadd.s32 v0, v8;
	v15 =	vand.u32 $0x7D, v6;
	v6 =	vld [tilespmem:s9+$0xFFFFF040];
	v5 =	vmul.f32 $5.656854150e+00, v5  }
0x3f: {  	v17 =	vand.u32 $0x7E, v11;
	v13 =	vadd.s32 v0, v15  }
0x40: {  	v11 =	vadd.s32 v0, v17;
	[tilespmem:v4+s24+$0x0] =	vst.idx.msk $0xffff, v5  }
0x41: {  	v4 =	vmul.f32 $5.656854150e+00, v7;
	v5 =	vld [tilespmem:s9+$0xFFFFF070]  }
0x42: {  	v7 =	vmul.f32 $5.656854150e+00, v10  }
0x43: {  	[tilespmem:v12+s24+$0x0] =	vst.idx.msk $0xffff, v4;
	v4 =	vmul.f32 $5.656854150e+00, v6;
	v6 =	vadd.s32 v1, v9  }
0x44: {  	[tilespmem:v13+s24+$0x0] =	vst.idx.msk $0xffff, v7;
	v10 =	vld [tilespmem:s9+$0xFFFFF010]  }
0x45: {  	v7 =	vld [tilespmem:s9+$0xFFFFF030];
	[tilespmem:v11+s24+$0x0] =	vst.idx.msk $0xffff, v4  }
0x46: {  	v11 =	vld [tilespmem:s9+$0xFFFFF050];
	v4 =	vmul.f32 $5.656854150e+00, v5  }
0x47: {  	s16 =	simm.s32 $0x4;
	s12 =	simm.s32 $0x7480;
	s14 =	simm.s32 $0x7;
	v12 =	vadd.s32 v1, v15  }
0x48: {  	v14 =	vld [tilespmem:s12+$0xFFFFF060];
	v13 =	vadd.s32 v1, v17;
	v5 =	vmov s16;
	[tilespmem:v6+s24+$0x0] =	vst.idx.msk $0xffff, v4;
	v6 =	vmov s14  }
0x49: {  	v16 =	vadd.s32 v1, v8;
	v4 =	vand.u32 $0x7C, v5;
	v5 =	vand.u32 $0x7F, v6;
	v18 =	vld [tilespmem:s9+$0x60]  }
0x4a: {  	s17 =	simm.s32 $0x5;
	v22 =	vadd.s32 v2, v9;
	v19 =	vld [tilespmem:s12+$0xFFFFF000];
	v6 =	vmul.f32 $5.656854150e+00, v7;
	v20 =	vadd.s32 v0, v5  }
0x4b: {  	s19 =	simm.s32 $0x6;
	v21 =	vld [tilespmem:s12+$0xFFFFF020];
	v10 =	vmul.f32 $5.656854150e+00, v10;
	v7 =	vmul.f32 $5.656854150e+00, v11;
	v11 =	vmov s17  }
0x4c: {  	v23 =	vadd.s32 v0, v4;
	[tilespmem:v12+s24+$0x0] =	vst.idx.msk $0xffff, v6;
	v12 =	vmov s19;
	v6 =	vand.u32 $0x7D, v11;
	v11 =	vld [tilespmem:s12+$0xFFFFF040]  }
0x4d: {  	[tilespmem:v13+s24+$0x0] =	vst.idx.msk $0xffff, v7;
	v13 =	vadd.s32 v0, v6;
	v7 =	vand.u32 $0x7E, v12;
	v12 =	vmul.f32 $5.656854150e+00, v14;
	v14 =	vld [tilespmem:s9+$0x20]  }
0x4e: {  	[tilespmem:v16+s24+$0x0] =	vst.idx.msk $0xffff, v10;
	v10 =	vadd.s32 v0, v7;
	v16 =	vld [tilespmem:s9+$0x40];
	v18 =	vmul.f32 $5.656854150e+00, v18  }
0x4f: {  	v19 =	vmul.f32 $5.656854150e+00, v19;
	[tilespmem:v20+s24+$0x0] =	vst.idx.msk $0xffff, v12;
	v12 =	vld [tilespmem:s9+$0x0];
	v20 =	vadd.s32 v2, v15  }
0x50: {  	v25 =	vadd.s32 v2, v17;
	v21 =	vmul.f32 $5.656854150e+00, v21;
	v24 =	vld [tilespmem:s12+$0xFFFFF070];
	[tilespmem:v22+s24+$0x0] =	vst.idx.msk $0xffff, v18  }
0x51: {  	[tilespmem:v23+s24+$0x0] =	vst.idx.msk $0xffff, v19;
	v19 =	vadd.s32 v2, v8;
	v11 =	vmul.f32 $5.656854150e+00, v11;
	v22 =	vld [tilespmem:s9+$0x70]  }
0x52: {  	v23 =	vld [tilespmem:s12+$0xFFFFF010];
	[tilespmem:v13+s24+$0x0] =	vst.idx.msk $0xffff, v21;
	v21 =	vadd.s32 v1, v5;
	v14 =	vmul.f32 $5.656854150e+00, v14  }
0x53: {  	v27 =	vadd.s32 v3, v9;
	v26 =	vld [tilespmem:s12+$0xFFFFF030];
	[tilespmem:v10+s24+$0x0] =	vst.idx.msk $0xffff, v11;
	v10 =	vmul.f32 $5.656854150e+00, v16  }
0x54: {  	v18 =	vadd.s32 v1, v4;
	v13 =	vld [tilespmem:s12+$0xFFFFF050];
	v9 =	vmul.f32 $5.656854150e+00, v12;
	[tilespmem:v20+s24+$0x0] =	vst.idx.msk $0xffff, v14  }
0x55: {  	s19 =	simm.s32 $0x8;
	v16 =	vadd.s32 v1, v6;
	[tilespmem:v25+s24+$0x0] =	vst.idx.msk $0xffff, v10;
	v14 =	vmul.f32 $5.656854150e+00, v24;
	v12 =	vld [tilespmem:s9+$0x30]  }
0x56: {  	v20 =	vmov s19;
	v10 =	vadd.s32 v1, v7;
	v11 =	vld [tilespmem:s9+$0x50];
	[tilespmem:v19+s24+$0x0] =	vst.idx.msk $0xffff, v9;
	v63 =	vmul.f32 $5.656854150e+00, v22  }
0x57: {  	s21 =	simm.s32 $0xB;
	s17 =	simm.s32 $0x7500;
	v15 =	vadd.s32 v3, v15;
	v9 =	vand.u32 $0x7C, v20;
	v20 =	vmul.f32 $5.656854150e+00, v23;
	[tilespmem:v21+s24+$0x0] =	vst.idx.msk $0xffff, v14;
	v14 =	vld [tilespmem:s9+$0x10]  }
0x58: {  	s13 =	simm.s32 $0xC;
	v17 =	vadd.s32 v3, v17;
	v22 =	vmov s21;
	v19 =	vld [tilespmem:s17+$0xFFFFF060];
	s9 =	sshll.u32 s5, $0x2;
	v21 =	vmul.f32 $5.656854150e+00, v26;
	[tilespmem:v27+s24+$0x0] =	vst.idx.msk $0xffff, v63  }
.LBB2_3:
0x59: {  	p1 =	slt.u32 s13, $0x7C;
	s14 =	sadd.s32 $0x1, s19;
	v22 =	vand.u32 $0x7F, v22;
	[tilespmem:v18+s24+$0x0] =	vst.idx.msk $0xffff, v20;
	v13 =	vmul.f32 $5.656854150e+00, v13;
	v18 =	vld [tilespmem:s12+$0x60];
	v20 =	vadd.s32 v3, v8;
	v8 =	vmovc v4  }
0x5a: {  	v4 =	vmovc v9;
	v23 =	vld [tilespmem:s17+$0xFFFFF000];
	v24 =	vmov s14;
	s14 =	sadd.s32 $0x2, s19;
	v25 =	vadd.s32 v0, v22;
	[tilespmem:v16+s24+$0x0] =	vst.idx.msk $0xffff, v21;
	v12 =	vmul.f32 $5.656854150e+00, v12;
	s19 =	smov.u32 s13  }
0x5b: {  	v9 =	vld [tilespmem:s17+$0xFFFFF020];
	v16 =	vmov s14;
	[tilespmem:v10+s24+$0x0] =	vst.idx.msk $0xffff, v13;
	v10 =	vadd.s32 v2, v5;
	v11 =	vmul.f32 $5.656854150e+00, v11  }
0x5c: {  	v13 =	vadd.s32 v0, v4;
	v21 =	vand.u32 $0x7D, v24;
	v24 =	vld [tilespmem:s17+$0xFFFFF040];
	v14 =	vmul.f32 $5.656854150e+00, v14;
	[tilespmem:v15+s24+$0x0] =	vst.idx.msk $0xffff, v12  }
0x5d: {  	v12 =	vadd.s32 v0, v21;
	v26 =	vand.u32 $0x7E, v16;
	v15 =	vmul.f32 $5.656854150e+00, v19;
	v16 =	vld [tilespmem:s12+$0x20];
	[tilespmem:v17+s24+$0x0] =	vst.idx.msk $0xffff, v11  }
0x5e: {  	v11 =	vadd.s32 v0, v26;
	v17 =	vld [tilespmem:s12+$0x40];
	v18 =	vmul.f32 $5.656854150e+00, v18;
	[tilespmem:v20+s24+$0x0] =	vst.idx.msk $0xffff, v14  }
0x5f: {  	v19 =	vadd.s32 v2, v6;
	v14 =	vmul.f32 $5.656854150e+00, v23;
	[tilespmem:v25+s24+$0x0] =	vst.idx.msk $0xffff, v15;
	v15 =	vld [tilespmem:s12+$0x0]  }
0x60: {  	v23 =	vadd.s32 v2, v7;
	v9 =	vmul.f32 $5.656854150e+00, v9;
	v20 =	vld [tilespmem:s17+$0xFFFFF070];
	[tilespmem:v10+s24+$0x0] =	vst.idx.msk $0xffff, v18  }
0x61: {  	[tilespmem:v13+s24+$0x0] =	vst.idx.msk $0xffff, v14;
	v10 =	vmul.f32 $5.656854150e+00, v24;
	v14 =	vadd.s32 v2, v8;
	v24 =	vld [tilespmem:s12+$0x70]  }
0x62: {  	v27 =	vadd.s32 v1, v22;
	v25 =	vld [tilespmem:s17+$0xFFFFF010];
	[tilespmem:v12+s24+$0x0] =	vst.idx.msk $0xffff, v9;
	v9 =	vmul.f32 $5.656854150e+00, v16  }
0x63: {  	v29 =	vadd.s32 v3, v5;
	v5 =	vmov v22;
	v28 =	vld [tilespmem:s17+$0xFFFFF030];
	[tilespmem:v11+s24+$0x0] =	vst.idx.msk $0xffff, v10;
	v10 =	vmul.f32 $5.656854150e+00, v17  }
.Ltmp2:
0x64: {  	v18 =	vadd.s32 v1, v4;
	v13 =	vld [tilespmem:s17+$0xFFFFF050];
	v11 =	vmul.f32 $5.656854150e+00, v15;
	[tilespmem:v19+s24+$0x0] =	vst.idx.msk $0xffff, v9;
	(pc) =	sbr.rel @p1 .LBB2_3-.Ltmp2, $4  }
0x65: {  	v16 =	vadd.s32 v1, v21;
	v15 =	vmul.f32 $5.656854150e+00, v20;
	v12 =	vld [tilespmem:s12+$0x30];
	[tilespmem:v23+s24+$0x0] =	vst.idx.msk $0xffff, v10  }
0x66: {  	v9 =	vmov s13;
	v10 =	vadd.s32 v1, v26;
	[tilespmem:v14+s24+$0x0] =	vst.idx.msk $0xffff, v11;
	v11 =	vld [tilespmem:s12+$0x50];
	v23 =	vmul.f32 $5.656854150e+00, v24  }
0x67: {  	s14 =	sadd.s32 $0x3, s13;
	v9 =	vand.u32 $0x7C, v9;
	v20 =	vmul.f32 $5.656854150e+00, v25;
	[tilespmem:v27+s24+$0x0] =	vst.idx.msk $0xffff, v15;
	v14 =	vld [tilespmem:s12+$0x10];
	v15 =	vadd.s32 v3, v6;
	v6 =	vmovc v21;
	s12 =	smov.u32 s17;
	s17 =	sadd.s32 $0x80, s17  }
0x68: {  	v22 =	vmov s14;
	v17 =	vadd.s32 v3, v7;
	v7 =	vmovc v26;
	s13 =	sadd.s32 $0x4, s13;
	v19 =	vld [tilespmem:s17+$0xFFFFF060];
	v21 =	vmul.f32 $5.656854150e+00, v28;
	[tilespmem:v29+s24+$0x0] =	vst.idx.msk $0xffff, v23  }
0x69: {  	s13 =	sadd.s32 $0x1, s19;
	v22 =	vand.u32 $0x7F, v22;
	v28 =	vld [tilespmem:s17+$0xFFFFF000]  }
0x6a: {  	s21 =	sadd.s32 $0x2, s19;
	v24 =	vld [tilespmem:s17+$0xFFFFF020];
	v23 =	vmov s13;
	v25 =	vadd.s32 v0, v22  }
0x6b: {  	v27 =	vld [tilespmem:s17+$0xFFFFF040];
	v51 =	vadd.s32 v0, v9;
	v26 =	vmov s21;
	v23 =	vand.u32 $0x7D, v23  }
0x6c: {  	v26 =	vand.u32 $0x7E, v26;
	v29 =	vadd.s32 v0, v23  }
0x6d: {  	[tilespmem:v18+s24+$0x0] =	vst.idx.msk $0xffff, v20;
	v30 =	vadd.s32 v0, v26;
	v19 =	vmul.f32 $5.656854150e+00, v19  }
0x6e: {  	[tilespmem:v16+s24+$0x0] =	vst.idx.msk $0xffff, v21;
	v54 =	vmul.f32 $5.656854150e+00, v28  }
0x6f: {  	v52 =	vmul.f32 $5.656854150e+00, v24;
	[tilespmem:v25+s24+$0x0] =	vst.idx.msk $0xffff, v19  }
0x70: {  	v53 =	vmul.f32 $5.656854150e+00, v27;
	v55 =	vld [tilespmem:s17+$0xFFFFF070];
	[tilespmem:v51+s24+$0x0] =	vst.idx.msk $0xffff, v54  }
0x71: {  	v13 =	vmul.f32 $5.656854150e+00, v13;
	v8 =	vadd.s32 v3, v8;
	[tilespmem:v29+s24+$0x0] =	vst.idx.msk $0xffff, v52;
	v59 =	vld [tilespmem:s17+$0xFFFFF010]  }
0x72: {  	v12 =	vmul.f32 $5.656854150e+00, v12;
	v57 =	vadd.s32 v1, v22;
	[tilespmem:v30+s24+$0x0] =	vst.idx.msk $0xffff, v53;
	v56 =	vld [tilespmem:s17+$0xFFFFF030]  }
0x73: {  	[tilespmem:v10+s24+$0x0] =	vst.idx.msk $0xffff, v13;
	v58 =	vmul.f32 $5.656854150e+00, v11;
	v28 =	vadd.s32 v1, v9;
	v19 =	vld [tilespmem:s17+$0xFFFFF050]  }
0x74: {  	v61 =	vld [tilespmem:s12+$0x60];
	v60 =	vadd.s32 v1, v23;
	v14 =	vmul.f32 $5.656854150e+00, v14;
	[tilespmem:v15+s24+$0x0] =	vst.idx.msk $0xffff, v12  }
0x75: {  	v32 =	vld [tilespmem:s12+$0x0];
	v62 =	vadd.s32 v1, v26;
	[tilespmem:v17+s24+$0x0] =	vst.idx.msk $0xffff, v58;
	v16 =	vmul.f32 $5.656854150e+00, v55  }
0x76: {  	[tilespmem:v8+s24+$0x0] =	vst.idx.msk $0xffff, v14;
	v29 =	vadd.s32 v2, v5;
	v30 =	vld [tilespmem:s12+$0x40];
	v11 =	vmul.f32 $5.656854150e+00, v59  }
0x77: {  	v38 =	vadd.s32 v2, v4;
	v63 =	vld [tilespmem:s12+$0x20];
	v31 =	vmul.f32 $5.656854150e+00, v56;
	[tilespmem:v57+s24+$0x0] =	vst.idx.msk $0xffff, v16  }
0x78: {  	v35 =	vadd.s32 v2, v7;
	v34 =	vmul.f32 $5.656854150e+00, v19;
	v36 =	vld [tilespmem:s17+$0x60];
	[tilespmem:v28+s24+$0x0] =	vst.idx.msk $0xffff, v11  }
0x79: {  	v33 =	vadd.s32 v2, v6;
	v37 =	vmul.f32 $5.656854150e+00, v61;
	[tilespmem:v60+s24+$0x0] =	vst.idx.msk $0xffff, v31;
	v43 =	vld [tilespmem:s17+$0x0]  }
0x7a: {  	v40 =	vadd.s32 v2, v22;
	v14 =	vmul.f32 $5.656854150e+00, v32;
	[tilespmem:v62+s24+$0x0] =	vst.idx.msk $0xffff, v34;
	v39 =	vld [tilespmem:s17+$0x20]  }
0x7b: {  	v48 =	vadd.s32 v2, v9;
	[tilespmem:v29+s24+$0x0] =	vst.idx.msk $0xffff, v37;
	v42 =	vmul.f32 $5.656854150e+00, v30;
	v41 =	vld [tilespmem:s17+$0x40]  }
0x7c: {  	v44 =	vadd.s32 v2, v23;
	v15 =	vmul.f32 $5.656854150e+00, v63;
	[tilespmem:v38+s24+$0x0] =	vst.idx.msk $0xffff, v14;
	v45 =	vld [tilespmem:s12+$0x70]  }
0x7d: {  	v46 =	vadd.s32 v2, v26;
	v14 =	vld [tilespmem:s12+$0x10];
	[tilespmem:v35+s24+$0x0] =	vst.idx.msk $0xffff, v42;
	v47 =	vmul.f32 $5.656854150e+00, v36  }
0x7e: {  	v5 =	vadd.s32 v3, v5;
	[tilespmem:v33+s24+$0x0] =	vst.idx.msk $0xffff, v15;
	v49 =	vld [tilespmem:s12+$0x50];
	v53 =	vmul.f32 $5.656854150e+00, v43  }
0x7f: {  	v4 =	vadd.s32 v3, v4;
	v21 =	vld [tilespmem:s12+$0x30];
	v12 =	vmul.f32 $5.656854150e+00, v39;
	[tilespmem:v40+s24+$0x0] =	vst.idx.msk $0xffff, v47  }
0x80: {  	v52 =	vadd.s32 v3, v7;
	v51 =	vmul.f32 $5.656854150e+00, v41;
	v10 =	vld [tilespmem:s17+$0x70];
	[tilespmem:v48+s24+$0x0] =	vst.idx.msk $0xffff, v53  }
0x81: {  	v50 =	vadd.s32 v3, v6;
	v54 =	vmul.f32 $5.656854150e+00, v45;
	[tilespmem:v44+s24+$0x0] =	vst.idx.msk $0xffff, v12;
	v59 =	vld [tilespmem:s17+$0x10]  }
0x82: {  	v57 =	vadd.s32 v3, v22;
	v14 =	vmul.f32 $5.656854150e+00, v14;
	[tilespmem:v46+s24+$0x0] =	vst.idx.msk $0xffff, v51;
	v55 =	vld [tilespmem:s17+$0x30]  }
0x83: {  	v62 =	vadd.s32 v3, v9;
	[tilespmem:v5+s24+$0x0] =	vst.idx.msk $0xffff, v54;
	v5 =	vmul.f32 $5.656854150e+00, v49;
	v58 =	vld [tilespmem:s17+$0x50]  }
0x84: {  	v56 =	vmul.f32 $5.656854150e+00, v21;
	v60 =	vadd.s32 v3, v23;
	[tilespmem:v4+s24+$0x0] =	vst.idx.msk $0xffff, v14  }
0x85: {  	v61 =	vadd.s32 v3, v26;
	[tilespmem:v52+s24+$0x0] =	vst.idx.msk $0xffff, v5;
	v5 =	vmul.f32 $5.656854150e+00, v10  }
0x86: {  	[tilespmem:v50+s24+$0x0] =	vst.idx.msk $0xffff, v56;
	v63 =	vmul.f32 $5.656854150e+00, v59  }
0x87: {  	s13 =	sshll.u32 s5, $0x14;
	v4 =	vmul.f32 $5.656854150e+00, v55;
	[tilespmem:v57+s24+$0x0] =	vst.idx.msk $0xffff, v5  }
0x88: {  	s12 =	sor.u32 s6, s13;
	v5 =	vmul.f32 $5.656854150e+00, v58;
	[tilespmem:v62+s24+$0x0] =	vst.idx.msk $0xffff, v63  }
0x89: {  	s12 =	sshrl.u32 s12, $0x3;
	[tilespmem:v60+s24+$0x0] =	vst.idx.msk $0xffff, v4  }
0x8a: {  	s14 =	simm.s32 $0xE400;
	s17 =	sadd.s32 s2, s12;
	[tilespmem:v61+s24+$0x0] =	vst.idx.msk $0xffff, v5  }
0x8b: {  	[hbm4b:s17+s3] =	stream.linear.scatter [tilespmem:s14], [sflag:$0x5], $0x80, $0x38;
	[tilespmem:$0x16C00] =	vst v63  }
0x8c: {  	s16 =	simm.s32 $0xE488;
	s14 =	sadd.s32 $0x10, s17  }
0x8d: {  	[hbm4b:s14+s3] =	stream.linear.scatter [tilespmem:s16], [sflag:$0x5], $0x80, $0x38;
	[tilespmem:$0x16C00] =	vst v63  }
0x8e: {  	s19 =	simm.s32 $0xE510;
	s21 =	sadd.s32 $0x20, s17  }
0x8f: {  	[hbm4b:s21+s3] =	stream.linear.scatter [tilespmem:s19], [sflag:$0x5], $0x80, $0x38;
	[tilespmem:$0x16C00] =	vst v63  }
0x90: {  	s14 =	simm.s32 $0xE598;
	s16 =	sadd.s32 $0x30, s17  }
0x91: {  	[hbm4b:s16+s3] =	stream.linear.scatter [tilespmem:s14], [sflag:$0x5], $0x80, $0x38;
	[tilespmem:$0x16C00] =	vst v63  }
0x92: {  	s19 =	simm.s32 $0xE620;
	s21 =	sadd.s32 $0x40, s17  }
0x93: {  	[hbm4b:s21+s3] =	stream.linear.scatter [tilespmem:s19], [sflag:$0x5], $0x80, $0x38;
	[tilespmem:$0x16C00] =	vst v63  }
0x94: {  	s13 =	simm.s32 $0x440;
	s14 =	simm.s32 $0xE6A8;
	s16 =	sadd.s32 $0x50, s17  }
0x95: {  	[hbm4b:s16+s3] =	stream.linear.scatter [tilespmem:s14], [sflag:$0x5], $0x80, $0x38;
	[tilespmem:$0x16C00] =	vst v63  }
0x96: {  	s19 =	simm.s32 $0xE730;
	s21 =	sadd.s32 $0x60, s17;
	s14 =	sadd.s32 $0x70, s17  }
0x97: {  	[hbm4b:s21+s3] =	stream.linear.scatter [tilespmem:s19], [sflag:$0x5], $0x80, $0x38;
	[tilespmem:$0x16C00] =	vst v63  }
0x98: {  	s17 =	sadd.s32 $0x1000, s17;
	s19 =	simm.s32 $0x2200;
	s21 =	simm.s32 $0xE7B8  }
.LBB2_5:
0x99: {  	[hbm4b:s14+s3] =	stream.linear.scatter [tilespmem:s21], [sflag:$0x5], $0x80, $0x38;
	[tilespmem:$0x16C00] =	vst v63  }
0x9a: {  	s14 =	smov.u32 s13;
	s13 =	smov.u32 s19  }
0x9b: {  	s16 =	sadd.s32 $0x1100, s19;
	s13 =	sshra.s32 s13, $0x2;
	s21 =	sadd.s32 $0xE400, s14  }
0x9c: {  	[hbm4b:s17+s3] =	stream.linear.scatter [tilespmem:s21], [sflag:$0x5], $0x80, $0x38;
	[tilespmem:$0x16C00] =	vst v63  }
0x9d: {  	p1 =	sne.s32 s19, $0x7700;
	s19 =	sadd.s32 $0xE488, s14;
	s21 =	sadd.s32 $0x10, s17  }
0x9e: {  	[hbm4b:s21+s3] =	stream.linear.scatter [tilespmem:s19], [sflag:$0x5], $0x80, $0x38;
	[tilespmem:$0x16C00] =	vst v63  }
0x9f: {  	s19 =	sadd.s32 $0xE510, s14;
	s21 =	sadd.s32 $0x20, s17  }
0xa0: {  	[hbm4b:s21+s3] =	stream.linear.scatter [tilespmem:s19], [sflag:$0x5], $0x80, $0x38;
	[tilespmem:$0x16C00] =	vst v63  }
0xa1: {  	s19 =	sadd.s32 $0xE598, s14;
	s21 =	sadd.s32 $0x30, s17  }
0xa2: {  	[hbm4b:s21+s3] =	stream.linear.scatter [tilespmem:s19], [sflag:$0x5], $0x80, $0x38;
	[tilespmem:$0x16C00] =	vst v63  }
0xa3: {  	s19 =	sadd.s32 $0xE620, s14;
	s21 =	sadd.s32 $0x40, s17  }
0xa4: {  	[hbm4b:s21+s3] =	stream.linear.scatter [tilespmem:s19], [sflag:$0x5], $0x80, $0x38;
	[tilespmem:$0x16C00] =	vst v63  }
0xa5: {  	s19 =	sadd.s32 $0xE6A8, s14;
	s21 =	sadd.s32 $0x50, s17  }
0xa6: {  	[hbm4b:s21+s3] =	stream.linear.scatter [tilespmem:s19], [sflag:$0x5], $0x80, $0x38;
	[tilespmem:$0x16C00] =	vst v63  }
.Ltmp3:
0xa7: {  	_ = 	snop;
	(pc) =	sbr.rel @p1 .LBB2_5-.Ltmp3, $4  }
0xa8: {  	s19 =	sadd.s32 $0xE730, s14;
	s21 =	sadd.s32 $0x60, s17  }
0xa9: {  	[hbm4b:s21+s3] =	stream.linear.scatter [tilespmem:s19], [sflag:$0x5], $0x80, $0x38;
	[tilespmem:$0x16C00] =	vst v63  }
0xaa: {  	s21 =	sadd.s32 $0xE7B8, s14  }
0xab: {  	s14 =	sadd.s32 $0x70, s17;
	s17 =	sadd.s32 $0x1000, s17;
	s19 =	smov.u32 s16  }
0xac: {  	[hbm4b:s14+s3] =	stream.linear.scatter [tilespmem:s21], [sflag:$0x5], $0x80, $0x38;
	[tilespmem:$0x16C00] =	vst v63  }
0xad: {  	s19 =	sadd.s32 $0xE400, s13  }
0xae: {  	[hbm4b:s17+s3] =	stream.linear.scatter [tilespmem:s19], [sflag:$0x5], $0x80, $0x38;
	[tilespmem:$0x16C00] =	vst v63  }
0xaf: {  	s21 =	sadd.s32 $0xE488, s13;
	s16 =	sadd.s32 $0x10, s17  }
0xb0: {  	[hbm4b:s16+s3] =	stream.linear.scatter [tilespmem:s21], [sflag:$0x5], $0x80, $0x38;
	[tilespmem:$0x16C00] =	vst v63  }
0xb1: {  	s19 =	sadd.s32 $0xE510, s13;
	s21 =	sadd.s32 $0x20, s17  }
0xb2: {  	[hbm4b:s21+s3] =	stream.linear.scatter [tilespmem:s19], [sflag:$0x5], $0x80, $0x38;
	[tilespmem:$0x16C00] =	vst v63  }
0xb3: {  	s19 =	sadd.s32 $0xE598, s13;
	s21 =	sadd.s32 $0x30, s17  }
0xb4: {  	[hbm4b:s21+s3] =	stream.linear.scatter [tilespmem:s19], [sflag:$0x5], $0x80, $0x38;
	[tilespmem:$0x16C00] =	vst v63  }
0xb5: {  	s19 =	sadd.s32 $0xE620, s13;
	s21 =	sadd.s32 $0x40, s17  }
0xb6: {  	[hbm4b:s21+s3] =	stream.linear.scatter [tilespmem:s19], [sflag:$0x5], $0x80, $0x38;
	[tilespmem:$0x16C00] =	vst v63  }
0xb7: {  	s19 =	sadd.s32 $0xE6A8, s13;
	s21 =	sadd.s32 $0x50, s17  }
0xb8: {  	[hbm4b:s21+s3] =	stream.linear.scatter [tilespmem:s19], [sflag:$0x5], $0x80, $0x38;
	[tilespmem:$0x16C00] =	vst v63  }
0xb9: {  	s9 =	sor.u32 $0x3, s9;
	s19 =	sadd.s32 $0xE730, s13;
	s21 =	sadd.s32 $0x60, s17  }
0xba: {  	[hbm4b:s21+s3] =	stream.linear.scatter [tilespmem:s19], [sflag:$0x5], $0x80, $0x38;
	[tilespmem:$0x16C00] =	vst v63  }
0xbb: {  	s14 =	sadd.s32 $0xE7B8, s13;
	s16 =	sadd.s32 $0x70, s17;
	s17 =	sshll.u32 s9, $0x8  }
0xbc: {  	[hbm4b:s16+s3] =	stream.linear.scatter [tilespmem:s14], [sflag:$0x5], $0x80, $0x38;
	[tilespmem:$0x16C00] =	vst v63  }
0xbd: {  	s13 =	sand.u32 $0x3FFFFF00, s17  }
0xbe: {  	[tilespmem:s25], [sflag:$0x4] =	stream.indirect.gather [hbm4b:s4+s10], $0x20, s13, s10, $0xb8;
	[tilespmem:$0x16C00] =	vst v63  }
0xbf: {  	s13 =	sor.u32 $0x80, s13  }
0xc0: {  	[tilespmem:s26], [sflag:$0x4] =	stream.indirect.gather [hbm4b:s4+s10], $0x20, s13, s10, $0xb8;
	[tilespmem:$0x16C00] =	vst v63  }
0xc1: {  	_ =	swait.ge [sflag:s28], $0x2000  }
0xc2: {  	[sflag:s28] =	ssyncset.done $0x0  }
0xc3: {  	s13 =	simm.s32 @!p0 $0x6;
	[sflag:s28] =	ssyncadd.s32 $0xFFFFE000  }
0xc4: {  	_ =	swait.ge @!p0 [sflag:s13], $0x2000  }
0xc5: {  	[sflag:s13] =	ssyncset.done @!p0 $0x0  }
0xc6: {  	s19 =	simm.s32 $0x3;
	[sflag:s13] =	ssyncadd.s32 @!p0 $0xFFFFE000;
	s13 =	simm.s32 $0x9400  }
0xc7: {  	v4 =	vmov s19;
	v5 =	vld [tilespmem:s13+$0xFFFFF060]  }
0xc8: {  	v9 =	vand.u32 $0x7F, v4  }
0xc9: {  	s21 =	simm.s32 $0x0;
	v4 =	vadd.s32 v0, v9  }
0xca: {  	s17 =	simm.s32 $0x2;
	v6 =	vmov s21;
	s16 =	simm.s32 $0x1;
	v7 =	vld [tilespmem:s13+$0xFFFFF000]  }
0xcb: {  	v11 =	vmov s17;
	v8 =	vand.u32 $0x7C, v6;
	v6 =	vmov s16;
	v10 =	vld [tilespmem:s13+$0xFFFFF020]  }
0xcc: {  	v12 =	vadd.s32 v0, v8;
	v15 =	vand.u32 $0x7D, v6;
	v6 =	vld [tilespmem:s13+$0xFFFFF040];
	v5 =	vmul.f32 $5.656854150e+00, v5  }
0xcd: {  	v17 =	vand.u32 $0x7E, v11;
	v13 =	vadd.s32 v0, v15  }
0xce: {  	v11 =	vadd.s32 v0, v17;
	[tilespmem:v4+s29+$0x0] =	vst.idx.msk $0xffff, v5  }
0xcf: {  	v4 =	vmul.f32 $5.656854150e+00, v7;
	v5 =	vld [tilespmem:s13+$0xFFFFF070]  }
0xd0: {  	v7 =	vmul.f32 $5.656854150e+00, v10  }
0xd1: {  	[tilespmem:v12+s29+$0x0] =	vst.idx.msk $0xffff, v4;
	v4 =	vmul.f32 $5.656854150e+00, v6;
	v6 =	vadd.s32 v1, v9  }
0xd2: {  	[tilespmem:v13+s29+$0x0] =	vst.idx.msk $0xffff, v7;
	v10 =	vld [tilespmem:s13+$0xFFFFF010]  }
0xd3: {  	v7 =	vld [tilespmem:s13+$0xFFFFF030];
	[tilespmem:v11+s29+$0x0] =	vst.idx.msk $0xffff, v4  }
0xd4: {  	v11 =	vld [tilespmem:s13+$0xFFFFF050];
	v4 =	vmul.f32 $5.656854150e+00, v5  }
0xd5: {  	s17 =	simm.s32 $0x9480;
	s19 =	simm.s32 $0x4;
	s21 =	simm.s32 $0x7;
	v12 =	vadd.s32 v1, v15  }
0xd6: {  	v14 =	vld [tilespmem:s17+$0xFFFFF060];
	v13 =	vadd.s32 v1, v17;
	v5 =	vmov s19;
	[tilespmem:v6+s29+$0x0] =	vst.idx.msk $0xffff, v4;
	v6 =	vmov s21  }
0xd7: {  	v16 =	vadd.s32 v1, v8;
	v4 =	vand.u32 $0x7C, v5;
	v5 =	vand.u32 $0x7F, v6;
	v18 =	vld [tilespmem:s13+$0x60]  }
0xd8: {  	v22 =	vadd.s32 v2, v9;
	v19 =	vld [tilespmem:s17+$0xFFFFF000];
	s19 =	simm.s32 $0x5;
	v6 =	vmul.f32 $5.656854150e+00, v7;
	v20 =	vadd.s32 v0, v5  }
0xd9: {  	v21 =	vld [tilespmem:s17+$0xFFFFF020];
	v10 =	vmul.f32 $5.656854150e+00, v10;
	s21 =	simm.s32 $0x6;
	v7 =	vmul.f32 $5.656854150e+00, v11;
	v11 =	vmov s19  }
0xda: {  	v23 =	vadd.s32 v0, v4;
	[tilespmem:v12+s29+$0x0] =	vst.idx.msk $0xffff, v6;
	v12 =	vmov s21;
	v6 =	vand.u32 $0x7D, v11;
	v11 =	vld [tilespmem:s17+$0xFFFFF040]  }
0xdb: {  	[tilespmem:v13+s29+$0x0] =	vst.idx.msk $0xffff, v7;
	v13 =	vadd.s32 v0, v6;
	v7 =	vand.u32 $0x7E, v12;
	v12 =	vmul.f32 $5.656854150e+00, v14;
	v14 =	vld [tilespmem:s13+$0x20]  }
0xdc: {  	[tilespmem:v16+s29+$0x0] =	vst.idx.msk $0xffff, v10;
	v10 =	vadd.s32 v0, v7;
	v16 =	vld [tilespmem:s13+$0x40];
	v18 =	vmul.f32 $5.656854150e+00, v18  }
0xdd: {  	v19 =	vmul.f32 $5.656854150e+00, v19;
	[tilespmem:v20+s29+$0x0] =	vst.idx.msk $0xffff, v12;
	v12 =	vld [tilespmem:s13+$0x0];
	v20 =	vadd.s32 v2, v15  }
0xde: {  	v25 =	vadd.s32 v2, v17;
	v21 =	vmul.f32 $5.656854150e+00, v21;
	v24 =	vld [tilespmem:s17+$0xFFFFF070];
	[tilespmem:v22+s29+$0x0] =	vst.idx.msk $0xffff, v18  }
0xdf: {  	[tilespmem:v23+s29+$0x0] =	vst.idx.msk $0xffff, v19;
	v19 =	vadd.s32 v2, v8;
	v11 =	vmul.f32 $5.656854150e+00, v11;
	v22 =	vld [tilespmem:s13+$0x70]  }
0xe0: {  	v23 =	vld [tilespmem:s17+$0xFFFFF010];
	[tilespmem:v13+s29+$0x0] =	vst.idx.msk $0xffff, v21;
	v21 =	vadd.s32 v1, v5;
	v14 =	vmul.f32 $5.656854150e+00, v14  }
0xe1: {  	v27 =	vadd.s32 v3, v9;
	v26 =	vld [tilespmem:s17+$0xFFFFF030];
	[tilespmem:v10+s29+$0x0] =	vst.idx.msk $0xffff, v11;
	v10 =	vmul.f32 $5.656854150e+00, v16  }
0xe2: {  	v18 =	vadd.s32 v1, v4;
	v13 =	vld [tilespmem:s17+$0xFFFFF050];
	v9 =	vmul.f32 $5.656854150e+00, v12;
	[tilespmem:v20+s29+$0x0] =	vst.idx.msk $0xffff, v14  }
0xe3: {  	s21 =	simm.s32 $0x8;
	v16 =	vadd.s32 v1, v6;
	[tilespmem:v25+s29+$0x0] =	vst.idx.msk $0xffff, v10;
	v14 =	vmul.f32 $5.656854150e+00, v24;
	v12 =	vld [tilespmem:s13+$0x30]  }
0xe4: {  	v20 =	vmov s21;
	v10 =	vadd.s32 v1, v7;
	v11 =	vld [tilespmem:s13+$0x50];
	[tilespmem:v19+s29+$0x0] =	vst.idx.msk $0xffff, v9;
	v63 =	vmul.f32 $5.656854150e+00, v22  }
0xe5: {  	s16 =	simm.s32 $0xB;
	s19 =	simm.s32 $0x9500;
	v15 =	vadd.s32 v3, v15;
	v9 =	vand.u32 $0x7C, v20;
	v20 =	vmul.f32 $5.656854150e+00, v23;
	[tilespmem:v21+s29+$0x0] =	vst.idx.msk $0xffff, v14;
	v14 =	vld [tilespmem:s13+$0x10]  }
0xe6: {  	v17 =	vadd.s32 v3, v17;
	v22 =	vmov s16;
	v19 =	vld [tilespmem:s19+$0xFFFFF060];
	s13 =	simm.s32 $0xC;
	v21 =	vmul.f32 $5.656854150e+00, v26;
	[tilespmem:v27+s29+$0x0] =	vst.idx.msk $0xffff, v63  }
.LBB2_7:
0xe7: {  	p1 =	slt.u32 s13, $0x7C;
	s14 =	sadd.s32 $0x1, s21;
	v22 =	vand.u32 $0x7F, v22;
	[tilespmem:v18+s29+$0x0] =	vst.idx.msk $0xffff, v20;
	v13 =	vmul.f32 $5.656854150e+00, v13;
	v18 =	vld [tilespmem:s17+$0x60];
	v20 =	vadd.s32 v3, v8;
	v8 =	vmovc v4  }
0xe8: {  	v4 =	vmovc v9;
	v23 =	vld [tilespmem:s19+$0xFFFFF000];
	v24 =	vmov s14;
	s14 =	sadd.s32 $0x2, s21;
	v25 =	vadd.s32 v0, v22;
	[tilespmem:v16+s29+$0x0] =	vst.idx.msk $0xffff, v21;
	v12 =	vmul.f32 $5.656854150e+00, v12;
	s21 =	smov.u32 s13  }
0xe9: {  	v9 =	vld [tilespmem:s19+$0xFFFFF020];
	v16 =	vmov s14;
	[tilespmem:v10+s29+$0x0] =	vst.idx.msk $0xffff, v13;
	v10 =	vadd.s32 v2, v5;
	v11 =	vmul.f32 $5.656854150e+00, v11  }
0xea: {  	v13 =	vadd.s32 v0, v4;
	v21 =	vand.u32 $0x7D, v24;
	v24 =	vld [tilespmem:s19+$0xFFFFF040];
	v14 =	vmul.f32 $5.656854150e+00, v14;
	[tilespmem:v15+s29+$0x0] =	vst.idx.msk $0xffff, v12  }
0xeb: {  	v12 =	vadd.s32 v0, v21;
	v26 =	vand.u32 $0x7E, v16;
	v15 =	vmul.f32 $5.656854150e+00, v19;
	v16 =	vld [tilespmem:s17+$0x20];
	[tilespmem:v17+s29+$0x0] =	vst.idx.msk $0xffff, v11  }
0xec: {  	v11 =	vadd.s32 v0, v26;
	v17 =	vld [tilespmem:s17+$0x40];
	v18 =	vmul.f32 $5.656854150e+00, v18;
	[tilespmem:v20+s29+$0x0] =	vst.idx.msk $0xffff, v14  }
0xed: {  	v19 =	vadd.s32 v2, v6;
	v14 =	vmul.f32 $5.656854150e+00, v23;
	[tilespmem:v25+s29+$0x0] =	vst.idx.msk $0xffff, v15;
	v15 =	vld [tilespmem:s17+$0x0]  }
0xee: {  	v23 =	vadd.s32 v2, v7;
	v9 =	vmul.f32 $5.656854150e+00, v9;
	v20 =	vld [tilespmem:s19+$0xFFFFF070];
	[tilespmem:v10+s29+$0x0] =	vst.idx.msk $0xffff, v18  }
0xef: {  	[tilespmem:v13+s29+$0x0] =	vst.idx.msk $0xffff, v14;
	v10 =	vmul.f32 $5.656854150e+00, v24;
	v14 =	vadd.s32 v2, v8;
	v24 =	vld [tilespmem:s17+$0x70]  }
0xf0: {  	v27 =	vadd.s32 v1, v22;
	v25 =	vld [tilespmem:s19+$0xFFFFF010];
	[tilespmem:v12+s29+$0x0] =	vst.idx.msk $0xffff, v9;
	v9 =	vmul.f32 $5.656854150e+00, v16  }
0xf1: {  	v29 =	vadd.s32 v3, v5;
	v5 =	vmov v22;
	v28 =	vld [tilespmem:s19+$0xFFFFF030];
	[tilespmem:v11+s29+$0x0] =	vst.idx.msk $0xffff, v10;
	v10 =	vmul.f32 $5.656854150e+00, v17  }
.Ltmp4:
0xf2: {  	v18 =	vadd.s32 v1, v4;
	v13 =	vld [tilespmem:s19+$0xFFFFF050];
	v11 =	vmul.f32 $5.656854150e+00, v15;
	[tilespmem:v19+s29+$0x0] =	vst.idx.msk $0xffff, v9;
	(pc) =	sbr.rel @p1 .LBB2_7-.Ltmp4, $4  }
0xf3: {  	v16 =	vadd.s32 v1, v21;
	v15 =	vmul.f32 $5.656854150e+00, v20;
	v12 =	vld [tilespmem:s17+$0x30];
	[tilespmem:v23+s29+$0x0] =	vst.idx.msk $0xffff, v10  }
0xf4: {  	v9 =	vmov s13;
	v10 =	vadd.s32 v1, v26;
	[tilespmem:v14+s29+$0x0] =	vst.idx.msk $0xffff, v11;
	v11 =	vld [tilespmem:s17+$0x50];
	v23 =	vmul.f32 $5.656854150e+00, v24  }
0xf5: {  	s14 =	sadd.s32 $0x3, s13;
	v9 =	vand.u32 $0x7C, v9;
	v20 =	vmul.f32 $5.656854150e+00, v25;
	[tilespmem:v27+s29+$0x0] =	vst.idx.msk $0xffff, v15;
	v14 =	vld [tilespmem:s17+$0x10];
	v15 =	vadd.s32 v3, v6;
	v6 =	vmovc v21;
	s17 =	smov.u32 s19;
	s19 =	sadd.s32 $0x80, s19  }
0xf6: {  	v22 =	vmov s14;
	v17 =	vadd.s32 v3, v7;
	v7 =	vmovc v26;
	s13 =	sadd.s32 $0x4, s13;
	v19 =	vld [tilespmem:s19+$0xFFFFF060];
	v21 =	vmul.f32 $5.656854150e+00, v28;
	[tilespmem:v29+s29+$0x0] =	vst.idx.msk $0xffff, v23  }
0xf7: {  	s13 =	sadd.s32 $0x1, s21;
	v22 =	vand.u32 $0x7F, v22;
	v28 =	vld [tilespmem:s19+$0xFFFFF000]  }
0xf8: {  	s21 =	sadd.s32 $0x2, s21;
	v24 =	vld [tilespmem:s19+$0xFFFFF020];
	v23 =	vmov s13;
	v25 =	vadd.s32 v0, v22  }
0xf9: {  	v27 =	vld [tilespmem:s19+$0xFFFFF040];
	v51 =	vadd.s32 v0, v9;
	v26 =	vmov s21;
	v23 =	vand.u32 $0x7D, v23  }
0xfa: {  	v26 =	vand.u32 $0x7E, v26;
	v29 =	vadd.s32 v0, v23  }
0xfb: {  	[tilespmem:v18+s29+$0x0] =	vst.idx.msk $0xffff, v20;
	v30 =	vadd.s32 v0, v26;
	v19 =	vmul.f32 $5.656854150e+00, v19  }
0xfc: {  	[tilespmem:v16+s29+$0x0] =	vst.idx.msk $0xffff, v21;
	v54 =	vmul.f32 $5.656854150e+00, v28  }
0xfd: {  	v52 =	vmul.f32 $5.656854150e+00, v24;
	[tilespmem:v25+s29+$0x0] =	vst.idx.msk $0xffff, v19  }
0xfe: {  	v53 =	vmul.f32 $5.656854150e+00, v27;
	v55 =	vld [tilespmem:s19+$0xFFFFF070];
	[tilespmem:v51+s29+$0x0] =	vst.idx.msk $0xffff, v54  }
0xff: {  	v13 =	vmul.f32 $5.656854150e+00, v13;
	v8 =	vadd.s32 v3, v8;
	[tilespmem:v29+s29+$0x0] =	vst.idx.msk $0xffff, v52;
	v59 =	vld [tilespmem:s19+$0xFFFFF010]  }
0x100: {  	v12 =	vmul.f32 $5.656854150e+00, v12;
	v57 =	vadd.s32 v1, v22;
	[tilespmem:v30+s29+$0x0] =	vst.idx.msk $0xffff, v53;
	v56 =	vld [tilespmem:s19+$0xFFFFF030]  }
0x101: {  	[tilespmem:v10+s29+$0x0] =	vst.idx.msk $0xffff, v13;
	v58 =	vmul.f32 $5.656854150e+00, v11;
	v28 =	vadd.s32 v1, v9;
	v19 =	vld [tilespmem:s19+$0xFFFFF050]  }
0x102: {  	v61 =	vld [tilespmem:s17+$0x60];
	v60 =	vadd.s32 v1, v23;
	v14 =	vmul.f32 $5.656854150e+00, v14;
	[tilespmem:v15+s29+$0x0] =	vst.idx.msk $0xffff, v12  }
0x103: {  	v32 =	vld [tilespmem:s17+$0x0];
	v62 =	vadd.s32 v1, v26;
	[tilespmem:v17+s29+$0x0] =	vst.idx.msk $0xffff, v58;
	v16 =	vmul.f32 $5.656854150e+00, v55  }
0x104: {  	[tilespmem:v8+s29+$0x0] =	vst.idx.msk $0xffff, v14;
	v29 =	vadd.s32 v2, v5;
	v30 =	vld [tilespmem:s17+$0x40];
	v11 =	vmul.f32 $5.656854150e+00, v59  }
0x105: {  	v38 =	vadd.s32 v2, v4;
	v63 =	vld [tilespmem:s17+$0x20];
	v31 =	vmul.f32 $5.656854150e+00, v56;
	[tilespmem:v57+s29+$0x0] =	vst.idx.msk $0xffff, v16  }
0x106: {  	v35 =	vadd.s32 v2, v7;
	v34 =	vmul.f32 $5.656854150e+00, v19;
	v36 =	vld [tilespmem:s19+$0x60];
	[tilespmem:v28+s29+$0x0] =	vst.idx.msk $0xffff, v11  }
0x107: {  	v33 =	vadd.s32 v2, v6;
	v37 =	vmul.f32 $5.656854150e+00, v61;
	[tilespmem:v60+s29+$0x0] =	vst.idx.msk $0xffff, v31;
	v43 =	vld [tilespmem:s19+$0x0]  }
0x108: {  	v40 =	vadd.s32 v2, v22;
	v14 =	vmul.f32 $5.656854150e+00, v32;
	[tilespmem:v62+s29+$0x0] =	vst.idx.msk $0xffff, v34;
	v39 =	vld [tilespmem:s19+$0x20]  }
0x109: {  	v48 =	vadd.s32 v2, v9;
	[tilespmem:v29+s29+$0x0] =	vst.idx.msk $0xffff, v37;
	v42 =	vmul.f32 $5.656854150e+00, v30;
	v41 =	vld [tilespmem:s19+$0x40]  }
0x10a: {  	v44 =	vadd.s32 v2, v23;
	v15 =	vmul.f32 $5.656854150e+00, v63;
	[tilespmem:v38+s29+$0x0] =	vst.idx.msk $0xffff, v14;
	v45 =	vld [tilespmem:s17+$0x70]  }
0x10b: {  	v46 =	vadd.s32 v2, v26;
	v14 =	vld [tilespmem:s17+$0x10];
	[tilespmem:v35+s29+$0x0] =	vst.idx.msk $0xffff, v42;
	v47 =	vmul.f32 $5.656854150e+00, v36  }
0x10c: {  	v5 =	vadd.s32 v3, v5;
	[tilespmem:v33+s29+$0x0] =	vst.idx.msk $0xffff, v15;
	v49 =	vld [tilespmem:s17+$0x50];
	v53 =	vmul.f32 $5.656854150e+00, v43  }
0x10d: {  	v4 =	vadd.s32 v3, v4;
	v21 =	vld [tilespmem:s17+$0x30];
	v12 =	vmul.f32 $5.656854150e+00, v39;
	[tilespmem:v40+s29+$0x0] =	vst.idx.msk $0xffff, v47  }
0x10e: {  	v52 =	vadd.s32 v3, v7;
	v51 =	vmul.f32 $5.656854150e+00, v41;
	v10 =	vld [tilespmem:s19+$0x70];
	[tilespmem:v48+s29+$0x0] =	vst.idx.msk $0xffff, v53  }
0x10f: {  	v50 =	vadd.s32 v3, v6;
	v54 =	vmul.f32 $5.656854150e+00, v45;
	[tilespmem:v44+s29+$0x0] =	vst.idx.msk $0xffff, v12;
	v59 =	vld [tilespmem:s19+$0x10]  }
0x110: {  	v57 =	vadd.s32 v3, v22;
	v14 =	vmul.f32 $5.656854150e+00, v14;
	[tilespmem:v46+s29+$0x0] =	vst.idx.msk $0xffff, v51;
	v55 =	vld [tilespmem:s19+$0x30]  }
0x111: {  	v62 =	vadd.s32 v3, v9;
	[tilespmem:v5+s29+$0x0] =	vst.idx.msk $0xffff, v54;
	v5 =	vmul.f32 $5.656854150e+00, v49;
	v58 =	vld [tilespmem:s19+$0x50]  }
0x112: {  	v56 =	vmul.f32 $5.656854150e+00, v21;
	v60 =	vadd.s32 v3, v23;
	[tilespmem:v4+s29+$0x0] =	vst.idx.msk $0xffff, v14  }
0x113: {  	v61 =	vadd.s32 v3, v26;
	[tilespmem:v52+s29+$0x0] =	vst.idx.msk $0xffff, v5;
	v5 =	vmul.f32 $5.656854150e+00, v10  }
0x114: {  	[tilespmem:v50+s29+$0x0] =	vst.idx.msk $0xffff, v56;
	v63 =	vmul.f32 $5.656854150e+00, v59  }
0x115: {  	v4 =	vmul.f32 $5.656854150e+00, v55;
	[tilespmem:v57+s29+$0x0] =	vst.idx.msk $0xffff, v5  }
0x116: {  	v5 =	vmul.f32 $5.656854150e+00, v58;
	[tilespmem:v62+s29+$0x0] =	vst.idx.msk $0xffff, v63  }
0x117: {  	[tilespmem:v60+s29+$0x0] =	vst.idx.msk $0xffff, v4  }
0x118: {  	s16 =	sadd.s32 s12, s7;
	s14 =	simm.s32 $0x10600;
	[tilespmem:v61+s29+$0x0] =	vst.idx.msk $0xffff, v5  }
0x119: {  	[hbm4b:s16+s3] =	stream.linear.scatter [tilespmem:s14], [sflag:$0x6], $0x80, $0x38;
	[tilespmem:$0x16C00] =	vst v63  }
0x11a: {  	s17 =	simm.s32 $0x10688;
	s14 =	sadd.s32 $0x10, s16  }
0x11b: {  	[hbm4b:s14+s3] =	stream.linear.scatter [tilespmem:s17], [sflag:$0x6], $0x80, $0x38;
	[tilespmem:$0x16C00] =	vst v63  }
0x11c: {  	s21 =	sadd.s32 $0x20, s16;
	s19 =	simm.s32 $0x10710  }
0x11d: {  	[hbm4b:s21+s3] =	stream.linear.scatter [tilespmem:s19], [sflag:$0x6], $0x80, $0x38;
	[tilespmem:$0x16C00] =	vst v63  }
0x11e: {  	s14 =	simm.s32 $0x10798;
	s17 =	sadd.s32 $0x30, s16  }
0x11f: {  	[hbm4b:s17+s3] =	stream.linear.scatter [tilespmem:s14], [sflag:$0x6], $0x80, $0x38;
	[tilespmem:$0x16C00] =	vst v63  }
0x120: {  	s19 =	simm.s32 $0x10820;
	s21 =	sadd.s32 $0x40, s16  }
0x121: {  	[hbm4b:s21+s3] =	stream.linear.scatter [tilespmem:s19], [sflag:$0x6], $0x80, $0x38;
	[tilespmem:$0x16C00] =	vst v63  }
0x122: {  	s13 =	simm.s32 $0x440;
	s14 =	simm.s32 $0x108A8;
	s17 =	sadd.s32 $0x50, s16  }
0x123: {  	[hbm4b:s17+s3] =	stream.linear.scatter [tilespmem:s14], [sflag:$0x6], $0x80, $0x38;
	[tilespmem:$0x16C00] =	vst v63  }
0x124: {  	s19 =	simm.s32 $0x10930;
	s21 =	sadd.s32 $0x60, s16;
	s14 =	sadd.s32 $0x70, s16  }
0x125: {  	[hbm4b:s21+s3] =	stream.linear.scatter [tilespmem:s19], [sflag:$0x6], $0x80, $0x38;
	[tilespmem:$0x16C00] =	vst v63  }
0x126: {  	s17 =	sadd.s32 $0x1000, s16;
	s19 =	simm.s32 $0x2200;
	s21 =	simm.s32 $0x109B8  }
.LBB2_9:
0x127: {  	[hbm4b:s14+s3] =	stream.linear.scatter [tilespmem:s21], [sflag:$0x6], $0x80, $0x38;
	[tilespmem:$0x16C00] =	vst v63  }
0x128: {  	s14 =	smov.u32 s13;
	s13 =	smov.u32 s19  }
0x129: {  	s16 =	sadd.s32 $0x1100, s19;
	s13 =	sshra.s32 s13, $0x2;
	s21 =	sadd.s32 $0x10600, s14  }
0x12a: {  	[hbm4b:s17+s3] =	stream.linear.scatter [tilespmem:s21], [sflag:$0x6], $0x80, $0x38;
	[tilespmem:$0x16C00] =	vst v63  }
0x12b: {  	p1 =	sne.s32 s19, $0x7700;
	s19 =	sadd.s32 $0x10688, s14;
	s21 =	sadd.s32 $0x10, s17  }
0x12c: {  	[hbm4b:s21+s3] =	stream.linear.scatter [tilespmem:s19], [sflag:$0x6], $0x80, $0x38;
	[tilespmem:$0x16C00] =	vst v63  }
0x12d: {  	s19 =	sadd.s32 $0x10710, s14;
	s21 =	sadd.s32 $0x20, s17  }
0x12e: {  	[hbm4b:s21+s3] =	stream.linear.scatter [tilespmem:s19], [sflag:$0x6], $0x80, $0x38;
	[tilespmem:$0x16C00] =	vst v63  }
0x12f: {  	s19 =	sadd.s32 $0x10798, s14;
	s21 =	sadd.s32 $0x30, s17  }
0x130: {  	[hbm4b:s21+s3] =	stream.linear.scatter [tilespmem:s19], [sflag:$0x6], $0x80, $0x38;
	[tilespmem:$0x16C00] =	vst v63  }
0x131: {  	s19 =	sadd.s32 $0x10820, s14;
	s21 =	sadd.s32 $0x40, s17  }
0x132: {  	[hbm4b:s21+s3] =	stream.linear.scatter [tilespmem:s19], [sflag:$0x6], $0x80, $0x38;
	[tilespmem:$0x16C00] =	vst v63  }
0x133: {  	s19 =	sadd.s32 $0x108A8, s14;
	s21 =	sadd.s32 $0x50, s17  }
0x134: {  	[hbm4b:s21+s3] =	stream.linear.scatter [tilespmem:s19], [sflag:$0x6], $0x80, $0x38;
	[tilespmem:$0x16C00] =	vst v63  }
.Ltmp5:
0x135: {  	_ = 	snop;
	(pc) =	sbr.rel @p1 .LBB2_9-.Ltmp5, $4  }
0x136: {  	s19 =	sadd.s32 $0x10930, s14;
	s21 =	sadd.s32 $0x60, s17  }
0x137: {  	[hbm4b:s21+s3] =	stream.linear.scatter [tilespmem:s19], [sflag:$0x6], $0x80, $0x38;
	[tilespmem:$0x16C00] =	vst v63  }
0x138: {  	s21 =	sadd.s32 $0x109B8, s14  }
0x139: {  	s14 =	sadd.s32 $0x70, s17;
	s17 =	sadd.s32 $0x1000, s17;
	s19 =	smov.u32 s16  }
0x13a: {  	[hbm4b:s14+s3] =	stream.linear.scatter [tilespmem:s21], [sflag:$0x6], $0x80, $0x38;
	[tilespmem:$0x16C00] =	vst v63  }
0x13b: {  	s19 =	sadd.s32 $0x10600, s13  }
0x13c: {  	[hbm4b:s17+s3] =	stream.linear.scatter [tilespmem:s19], [sflag:$0x6], $0x80, $0x38;
	[tilespmem:$0x16C00] =	vst v63  }
0x13d: {  	s21 =	sadd.s32 $0x10688, s13;
	s16 =	sadd.s32 $0x10, s17  }
0x13e: {  	[hbm4b:s16+s3] =	stream.linear.scatter [tilespmem:s21], [sflag:$0x6], $0x80, $0x38;
	[tilespmem:$0x16C00] =	vst v63  }
0x13f: {  	s19 =	sadd.s32 $0x10710, s13;
	s21 =	sadd.s32 $0x20, s17  }
0x140: {  	[hbm4b:s21+s3] =	stream.linear.scatter [tilespmem:s19], [sflag:$0x6], $0x80, $0x38;
	[tilespmem:$0x16C00] =	vst v63  }
0x141: {  	s19 =	sadd.s32 $0x10798, s13;
	s21 =	sadd.s32 $0x30, s17  }
0x142: {  	[hbm4b:s21+s3] =	stream.linear.scatter [tilespmem:s19], [sflag:$0x6], $0x80, $0x38;
	[tilespmem:$0x16C00] =	vst v63  }
0x143: {  	s19 =	sadd.s32 $0x10820, s13;
	s21 =	sadd.s32 $0x40, s17  }
0x144: {  	[hbm4b:s21+s3] =	stream.linear.scatter [tilespmem:s19], [sflag:$0x6], $0x80, $0x38;
	[tilespmem:$0x16C00] =	vst v63  }
0x145: {  	p1 =	sne.s32 s5, $0x18;
	s19 =	sadd.s32 $0x108A8, s13;
	s21 =	sadd.s32 $0x50, s17  }
0x146: {  	[hbm4b:s21+s3] =	stream.linear.scatter [tilespmem:s19], [sflag:$0x6], $0x80, $0x38;
	[tilespmem:$0x16C00] =	vst v63  }
.Ltmp6:
0x147: {  	_ = 	snop;
	(pc) =	sbr.rel @p1 .LBB2_12-.Ltmp6, $4  }
0x148: {  	s19 =	sadd.s32 $0x10930, s13;
	s21 =	sadd.s32 $0x60, s17  }
0x149: {  	[hbm4b:s21+s3] =	stream.linear.scatter [tilespmem:s19], [sflag:$0x6], $0x80, $0x38;
	[tilespmem:$0x16C00] =	vst v63  }
0x14a: {  	s19 =	sadd.s32 $0x109B8, s13;
	s21 =	sadd.s32 $0x70, s17  }
0x14b: {  	[hbm4b:s21+s3] =	stream.linear.scatter [tilespmem:s19], [sflag:$0x6], $0x80, $0x38;
	[tilespmem:$0x16C00] =	vst v63  }
.Ltmp7:
0x14c: {  	(pc) =	sbr.rel .LBB2_13-.Ltmp7, $4  }
0x14d: {  	_ = 	snop  }
0x14e: {  	_ =	swait.ge [sflag:s30], $0x2000  }
0x14f: {  	[sflag:s30] =	ssyncset.done $0x0  }
0x150: {  	[sflag:s30] =	ssyncadd.s32 $0xFFFFE000  }
.LBB2_12:
0x151: {  	s13 =	sshll.u32 s5, $0xA  }
0x152: {  	s13 =	sand.u32 $0x3FFFFC00, s13  }
0x153: {  	s16 =	simm.s32 $0x6400;
	s14 =	sadd.s32 $0x400, s13  }
0x154: {  	[tilespmem:s16], [sflag:$0x1] =	stream.indirect.gather [hbm4b:s4+s10], $0x20, s14, s10, $0xb8;
	[tilespmem:$0x16C00] =	vst v63  }
.Ltmp8:
0x155: {  	s21 =	simm.s32 $0x7400;
	s13 =	sadd.s32 $0x480, s13;
	(pc) =	sbr.rel @p0 .LBB2_14-.Ltmp8, $4  }
0x156: {  	[tilespmem:s21], [sflag:$0x1] =	stream.indirect.gather [hbm4b:s4+s10], $0x20, s13, s10, $0xb8;
	[tilespmem:$0x16C00] =	vst v63  }
0x157: {  	_ =	swait.ge [sflag:s30], $0x2000  }
0x158: {  	[sflag:s30] =	ssyncset.done $0x0  }
0x159: {  	[sflag:s30] =	ssyncadd.s32 $0xFFFFE000  }
.LBB2_13:
0x15a: {  	_ =	swait.ge [sflag:s31], $0x2000  }
0x15b: {  	[sflag:s31] =	ssyncset.done $0x0  }
0x15c: {  	[sflag:s31] =	ssyncadd.s32 $0xFFFFE000  }
.LBB2_14:
0x15d: {  	s13 =	simm.s32 $0xB400;
	s14 =	simm.s32 $0x3  }
0x15e: {  	v4 =	vmov s14;
	v5 =	vld [tilespmem:s13+$0xFFFFF060]  }
0x15f: {  	v9 =	vand.u32 $0x7F, v4  }
0x160: {  	s16 =	simm.s32 $0x0;
	v4 =	vadd.s32 v0, v9  }
0x161: {  	s17 =	simm.s32 $0x1;
	v6 =	vmov s16;
	v7 =	vld [tilespmem:s13+$0xFFFFF000];
	s16 =	simm.s32 $0x2  }
0x162: {  	v10 =	vld [tilespmem:s13+$0xFFFFF020];
	v8 =	vand.u32 $0x7C, v6;
	v6 =	vmov s17;
	v11 =	vmov s16  }
0x163: {  	v12 =	vadd.s32 v0, v8;
	v15 =	vand.u32 $0x7D, v6;
	v6 =	vld [tilespmem:s13+$0xFFFFF040];
	v5 =	vmul.f32 $5.656854150e+00, v5  }
0x164: {  	v17 =	vand.u32 $0x7E, v11;
	v13 =	vadd.s32 v0, v15  }
0x165: {  	v11 =	vadd.s32 v0, v17;
	[tilespmem:v4+s0+$0x0] =	vst.idx.msk $0xffff, v5  }
0x166: {  	v4 =	vmul.f32 $5.656854150e+00, v7;
	v5 =	vld [tilespmem:s13+$0xFFFFF070]  }
0x167: {  	v7 =	vmul.f32 $5.656854150e+00, v10  }
0x168: {  	[tilespmem:v12+s0+$0x0] =	vst.idx.msk $0xffff, v4;
	v4 =	vmul.f32 $5.656854150e+00, v6;
	v6 =	vadd.s32 v1, v9  }
0x169: {  	[tilespmem:v13+s0+$0x0] =	vst.idx.msk $0xffff, v7;
	v10 =	vld [tilespmem:s13+$0xFFFFF010]  }
0x16a: {  	v7 =	vld [tilespmem:s13+$0xFFFFF030];
	[tilespmem:v11+s0+$0x0] =	vst.idx.msk $0xffff, v4  }
0x16b: {  	v11 =	vld [tilespmem:s13+$0xFFFFF050];
	v4 =	vmul.f32 $5.656854150e+00, v5  }
0x16c: {  	s19 =	simm.s32 $0x4;
	s21 =	simm.s32 $0x7;
	s17 =	simm.s32 $0xB480;
	v12 =	vadd.s32 v1, v15  }
0x16d: {  	v14 =	vld [tilespmem:s17+$0xFFFFF060];
	v13 =	vadd.s32 v1, v17;
	v5 =	vmov s19;
	[tilespmem:v6+s0+$0x0] =	vst.idx.msk $0xffff, v4;
	v6 =	vmov s21  }
0x16e: {  	v16 =	vadd.s32 v1, v8;
	v4 =	vand.u32 $0x7C, v5;
	v5 =	vand.u32 $0x7F, v6;
	v18 =	vld [tilespmem:s13+$0x60]  }
0x16f: {  	v19 =	vld [tilespmem:s17+$0xFFFFF000];
	v22 =	vadd.s32 v2, v9;
	s19 =	simm.s32 $0x5;
	v6 =	vmul.f32 $5.656854150e+00, v7;
	v20 =	vadd.s32 v0, v5  }
0x170: {  	v21 =	vld [tilespmem:s17+$0xFFFFF020];
	v10 =	vmul.f32 $5.656854150e+00, v10;
	s21 =	simm.s32 $0x6;
	v7 =	vmul.f32 $5.656854150e+00, v11;
	v11 =	vmov s19  }
0x171: {  	v23 =	vadd.s32 v0, v4;
	[tilespmem:v12+s0+$0x0] =	vst.idx.msk $0xffff, v6;
	v12 =	vmov s21;
	v6 =	vand.u32 $0x7D, v11;
	v11 =	vld [tilespmem:s17+$0xFFFFF040]  }
0x172: {  	[tilespmem:v13+s0+$0x0] =	vst.idx.msk $0xffff, v7;
	v13 =	vadd.s32 v0, v6;
	v7 =	vand.u32 $0x7E, v12;
	v12 =	vmul.f32 $5.656854150e+00, v14;
	v14 =	vld [tilespmem:s13+$0x20]  }
0x173: {  	[tilespmem:v16+s0+$0x0] =	vst.idx.msk $0xffff, v10;
	v10 =	vadd.s32 v0, v7;
	v16 =	vld [tilespmem:s13+$0x40];
	v18 =	vmul.f32 $5.656854150e+00, v18  }
0x174: {  	v19 =	vmul.f32 $5.656854150e+00, v19;
	[tilespmem:v20+s0+$0x0] =	vst.idx.msk $0xffff, v12;
	v12 =	vld [tilespmem:s13+$0x0];
	v20 =	vadd.s32 v2, v15  }
0x175: {  	v25 =	vadd.s32 v2, v17;
	v21 =	vmul.f32 $5.656854150e+00, v21;
	v24 =	vld [tilespmem:s17+$0xFFFFF070];
	[tilespmem:v22+s0+$0x0] =	vst.idx.msk $0xffff, v18  }
0x176: {  	[tilespmem:v23+s0+$0x0] =	vst.idx.msk $0xffff, v19;
	v19 =	vadd.s32 v2, v8;
	v11 =	vmul.f32 $5.656854150e+00, v11;
	v22 =	vld [tilespmem:s13+$0x70]  }
0x177: {  	v23 =	vld [tilespmem:s17+$0xFFFFF010];
	[tilespmem:v13+s0+$0x0] =	vst.idx.msk $0xffff, v21;
	v21 =	vadd.s32 v1, v5;
	v14 =	vmul.f32 $5.656854150e+00, v14  }
0x178: {  	v27 =	vadd.s32 v3, v9;
	v26 =	vld [tilespmem:s17+$0xFFFFF030];
	[tilespmem:v10+s0+$0x0] =	vst.idx.msk $0xffff, v11;
	v10 =	vmul.f32 $5.656854150e+00, v16  }
0x179: {  	v18 =	vadd.s32 v1, v4;
	v13 =	vld [tilespmem:s17+$0xFFFFF050];
	v9 =	vmul.f32 $5.656854150e+00, v12;
	[tilespmem:v20+s0+$0x0] =	vst.idx.msk $0xffff, v14  }
0x17a: {  	s21 =	simm.s32 $0x8;
	v16 =	vadd.s32 v1, v6;
	[tilespmem:v25+s0+$0x0] =	vst.idx.msk $0xffff, v10;
	v14 =	vmul.f32 $5.656854150e+00, v24;
	v12 =	vld [tilespmem:s13+$0x30]  }
0x17b: {  	v20 =	vmov s21;
	v10 =	vadd.s32 v1, v7;
	v11 =	vld [tilespmem:s13+$0x50];
	[tilespmem:v19+s0+$0x0] =	vst.idx.msk $0xffff, v9;
	v63 =	vmul.f32 $5.656854150e+00, v22  }
0x17c: {  	s16 =	simm.s32 $0xB;
	s19 =	simm.s32 $0xB500;
	v15 =	vadd.s32 v3, v15;
	v9 =	vand.u32 $0x7C, v20;
	v20 =	vmul.f32 $5.656854150e+00, v23;
	[tilespmem:v21+s0+$0x0] =	vst.idx.msk $0xffff, v14;
	v14 =	vld [tilespmem:s13+$0x10]  }
0x17d: {  	v17 =	vadd.s32 v3, v17;
	v22 =	vmov s16;
	v19 =	vld [tilespmem:s19+$0xFFFFF060];
	s13 =	simm.s32 $0xC;
	v21 =	vmul.f32 $5.656854150e+00, v26;
	[tilespmem:v27+s0+$0x0] =	vst.idx.msk $0xffff, v63  }
.LBB2_15:
0x17e: {  	p2 =	slt.u32 s13, $0x7C;
	s14 =	sadd.s32 $0x1, s21;
	v22 =	vand.u32 $0x7F, v22;
	[tilespmem:v18+s0+$0x0] =	vst.idx.msk $0xffff, v20;
	v13 =	vmul.f32 $5.656854150e+00, v13;
	v18 =	vld [tilespmem:s17+$0x60];
	v20 =	vadd.s32 v3, v8;
	v8 =	vmovc v4  }
0x17f: {  	v4 =	vmovc v9;
	v23 =	vld [tilespmem:s19+$0xFFFFF000];
	v24 =	vmov s14;
	s14 =	sadd.s32 $0x2, s21;
	v25 =	vadd.s32 v0, v22;
	[tilespmem:v16+s0+$0x0] =	vst.idx.msk $0xffff, v21;
	v12 =	vmul.f32 $5.656854150e+00, v12;
	s21 =	smov.u32 s13  }
0x180: {  	v9 =	vld [tilespmem:s19+$0xFFFFF020];
	v16 =	vmov s14;
	[tilespmem:v10+s0+$0x0] =	vst.idx.msk $0xffff, v13;
	v10 =	vadd.s32 v2, v5;
	v11 =	vmul.f32 $5.656854150e+00, v11  }
0x181: {  	v13 =	vadd.s32 v0, v4;
	v21 =	vand.u32 $0x7D, v24;
	v24 =	vld [tilespmem:s19+$0xFFFFF040];
	v14 =	vmul.f32 $5.656854150e+00, v14;
	[tilespmem:v15+s0+$0x0] =	vst.idx.msk $0xffff, v12  }
0x182: {  	v12 =	vadd.s32 v0, v21;
	v26 =	vand.u32 $0x7E, v16;
	v15 =	vmul.f32 $5.656854150e+00, v19;
	v16 =	vld [tilespmem:s17+$0x20];
	[tilespmem:v17+s0+$0x0] =	vst.idx.msk $0xffff, v11  }
0x183: {  	v11 =	vadd.s32 v0, v26;
	v17 =	vld [tilespmem:s17+$0x40];
	v18 =	vmul.f32 $5.656854150e+00, v18;
	[tilespmem:v20+s0+$0x0] =	vst.idx.msk $0xffff, v14  }
0x184: {  	v19 =	vadd.s32 v2, v6;
	v14 =	vmul.f32 $5.656854150e+00, v23;
	[tilespmem:v25+s0+$0x0] =	vst.idx.msk $0xffff, v15;
	v15 =	vld [tilespmem:s17+$0x0]  }
0x185: {  	v23 =	vadd.s32 v2, v7;
	v9 =	vmul.f32 $5.656854150e+00, v9;
	v20 =	vld [tilespmem:s19+$0xFFFFF070];
	[tilespmem:v10+s0+$0x0] =	vst.idx.msk $0xffff, v18  }
0x186: {  	[tilespmem:v13+s0+$0x0] =	vst.idx.msk $0xffff, v14;
	v10 =	vmul.f32 $5.656854150e+00, v24;
	v14 =	vadd.s32 v2, v8;
	v24 =	vld [tilespmem:s17+$0x70]  }
0x187: {  	v27 =	vadd.s32 v1, v22;
	v25 =	vld [tilespmem:s19+$0xFFFFF010];
	[tilespmem:v12+s0+$0x0] =	vst.idx.msk $0xffff, v9;
	v9 =	vmul.f32 $5.656854150e+00, v16  }
0x188: {  	v29 =	vadd.s32 v3, v5;
	v5 =	vmov v22;
	v28 =	vld [tilespmem:s19+$0xFFFFF030];
	[tilespmem:v11+s0+$0x0] =	vst.idx.msk $0xffff, v10;
	v10 =	vmul.f32 $5.656854150e+00, v17  }
.Ltmp9:
0x189: {  	v18 =	vadd.s32 v1, v4;
	v13 =	vld [tilespmem:s19+$0xFFFFF050];
	v11 =	vmul.f32 $5.656854150e+00, v15;
	[tilespmem:v19+s0+$0x0] =	vst.idx.msk $0xffff, v9;
	(pc) =	sbr.rel @p2 .LBB2_15-.Ltmp9, $4  }
0x18a: {  	v16 =	vadd.s32 v1, v21;
	v15 =	vmul.f32 $5.656854150e+00, v20;
	v12 =	vld [tilespmem:s17+$0x30];
	[tilespmem:v23+s0+$0x0] =	vst.idx.msk $0xffff, v10  }
0x18b: {  	v9 =	vmov s13;
	v10 =	vadd.s32 v1, v26;
	[tilespmem:v14+s0+$0x0] =	vst.idx.msk $0xffff, v11;
	v11 =	vld [tilespmem:s17+$0x50];
	v23 =	vmul.f32 $5.656854150e+00, v24  }
0x18c: {  	s14 =	sadd.s32 $0x3, s13;
	v9 =	vand.u32 $0x7C, v9;
	v20 =	vmul.f32 $5.656854150e+00, v25;
	[tilespmem:v27+s0+$0x0] =	vst.idx.msk $0xffff, v15;
	v14 =	vld [tilespmem:s17+$0x10];
	v15 =	vadd.s32 v3, v6;
	v6 =	vmovc v21;
	s17 =	smov.u32 s19;
	s19 =	sadd.s32 $0x80, s19  }
0x18d: {  	v22 =	vmov s14;
	v17 =	vadd.s32 v3, v7;
	v7 =	vmovc v26;
	s13 =	sadd.s32 $0x4, s13;
	v19 =	vld [tilespmem:s19+$0xFFFFF060];
	v21 =	vmul.f32 $5.656854150e+00, v28;
	[tilespmem:v29+s0+$0x0] =	vst.idx.msk $0xffff, v23  }
0x18e: {  	s13 =	sadd.s32 $0x1, s21;
	v22 =	vand.u32 $0x7F, v22;
	v28 =	vld [tilespmem:s19+$0xFFFFF000]  }
0x18f: {  	s14 =	sadd.s32 $0x2, s21;
	v24 =	vld [tilespmem:s19+$0xFFFFF020];
	v23 =	vmov s13;
	v25 =	vadd.s32 v0, v22  }
0x190: {  	v27 =	vld [tilespmem:s19+$0xFFFFF040];
	v51 =	vadd.s32 v0, v9;
	v26 =	vmov s14;
	v23 =	vand.u32 $0x7D, v23  }
0x191: {  	v26 =	vand.u32 $0x7E, v26;
	v29 =	vadd.s32 v0, v23  }
0x192: {  	[tilespmem:v18+s0+$0x0] =	vst.idx.msk $0xffff, v20;
	v30 =	vadd.s32 v0, v26;
	v19 =	vmul.f32 $5.656854150e+00, v19  }
0x193: {  	[tilespmem:v16+s0+$0x0] =	vst.idx.msk $0xffff, v21;
	v54 =	vmul.f32 $5.656854150e+00, v28  }
0x194: {  	v52 =	vmul.f32 $5.656854150e+00, v24;
	[tilespmem:v25+s0+$0x0] =	vst.idx.msk $0xffff, v19  }
0x195: {  	v53 =	vmul.f32 $5.656854150e+00, v27;
	v55 =	vld [tilespmem:s19+$0xFFFFF070];
	[tilespmem:v51+s0+$0x0] =	vst.idx.msk $0xffff, v54  }
0x196: {  	v13 =	vmul.f32 $5.656854150e+00, v13;
	v8 =	vadd.s32 v3, v8;
	[tilespmem:v29+s0+$0x0] =	vst.idx.msk $0xffff, v52;
	v59 =	vld [tilespmem:s19+$0xFFFFF010]  }
0x197: {  	v12 =	vmul.f32 $5.656854150e+00, v12;
	v57 =	vadd.s32 v1, v22;
	[tilespmem:v30+s0+$0x0] =	vst.idx.msk $0xffff, v53;
	v56 =	vld [tilespmem:s19+$0xFFFFF030]  }
0x198: {  	[tilespmem:v10+s0+$0x0] =	vst.idx.msk $0xffff, v13;
	v58 =	vmul.f32 $5.656854150e+00, v11;
	v28 =	vadd.s32 v1, v9;
	v19 =	vld [tilespmem:s19+$0xFFFFF050]  }
0x199: {  	v61 =	vld [tilespmem:s17+$0x60];
	v60 =	vadd.s32 v1, v23;
	v14 =	vmul.f32 $5.656854150e+00, v14;
	[tilespmem:v15+s0+$0x0] =	vst.idx.msk $0xffff, v12  }
0x19a: {  	v32 =	vld [tilespmem:s17+$0x0];
	v62 =	vadd.s32 v1, v26;
	[tilespmem:v17+s0+$0x0] =	vst.idx.msk $0xffff, v58;
	v16 =	vmul.f32 $5.656854150e+00, v55  }
0x19b: {  	[tilespmem:v8+s0+$0x0] =	vst.idx.msk $0xffff, v14;
	v29 =	vadd.s32 v2, v5;
	v30 =	vld [tilespmem:s17+$0x40];
	v11 =	vmul.f32 $5.656854150e+00, v59  }
0x19c: {  	v38 =	vadd.s32 v2, v4;
	v63 =	vld [tilespmem:s17+$0x20];
	v31 =	vmul.f32 $5.656854150e+00, v56;
	[tilespmem:v57+s0+$0x0] =	vst.idx.msk $0xffff, v16  }
0x19d: {  	v35 =	vadd.s32 v2, v7;
	v34 =	vmul.f32 $5.656854150e+00, v19;
	v36 =	vld [tilespmem:s19+$0x60];
	[tilespmem:v28+s0+$0x0] =	vst.idx.msk $0xffff, v11  }
0x19e: {  	v33 =	vadd.s32 v2, v6;
	v37 =	vmul.f32 $5.656854150e+00, v61;
	[tilespmem:v60+s0+$0x0] =	vst.idx.msk $0xffff, v31;
	v43 =	vld [tilespmem:s19+$0x0]  }
0x19f: {  	v40 =	vadd.s32 v2, v22;
	v14 =	vmul.f32 $5.656854150e+00, v32;
	[tilespmem:v62+s0+$0x0] =	vst.idx.msk $0xffff, v34;
	v39 =	vld [tilespmem:s19+$0x20]  }
0x1a0: {  	v48 =	vadd.s32 v2, v9;
	[tilespmem:v29+s0+$0x0] =	vst.idx.msk $0xffff, v37;
	v42 =	vmul.f32 $5.656854150e+00, v30;
	v41 =	vld [tilespmem:s19+$0x40]  }
0x1a1: {  	v44 =	vadd.s32 v2, v23;
	v15 =	vmul.f32 $5.656854150e+00, v63;
	[tilespmem:v38+s0+$0x0] =	vst.idx.msk $0xffff, v14;
	v45 =	vld [tilespmem:s17+$0x70]  }
0x1a2: {  	v46 =	vadd.s32 v2, v26;
	v14 =	vld [tilespmem:s17+$0x10];
	[tilespmem:v35+s0+$0x0] =	vst.idx.msk $0xffff, v42;
	v47 =	vmul.f32 $5.656854150e+00, v36  }
0x1a3: {  	v5 =	vadd.s32 v3, v5;
	[tilespmem:v33+s0+$0x0] =	vst.idx.msk $0xffff, v15;
	v49 =	vld [tilespmem:s17+$0x50];
	v53 =	vmul.f32 $5.656854150e+00, v43  }
0x1a4: {  	v4 =	vadd.s32 v3, v4;
	v21 =	vld [tilespmem:s17+$0x30];
	v12 =	vmul.f32 $5.656854150e+00, v39;
	[tilespmem:v40+s0+$0x0] =	vst.idx.msk $0xffff, v47  }
0x1a5: {  	v52 =	vadd.s32 v3, v7;
	v51 =	vmul.f32 $5.656854150e+00, v41;
	v10 =	vld [tilespmem:s19+$0x70];
	[tilespmem:v48+s0+$0x0] =	vst.idx.msk $0xffff, v53  }
0x1a6: {  	v50 =	vadd.s32 v3, v6;
	v54 =	vmul.f32 $5.656854150e+00, v45;
	[tilespmem:v44+s0+$0x0] =	vst.idx.msk $0xffff, v12;
	v59 =	vld [tilespmem:s19+$0x10]  }
0x1a7: {  	v57 =	vadd.s32 v3, v22;
	v14 =	vmul.f32 $5.656854150e+00, v14;
	[tilespmem:v46+s0+$0x0] =	vst.idx.msk $0xffff, v51;
	v55 =	vld [tilespmem:s19+$0x30]  }
0x1a8: {  	v62 =	vadd.s32 v3, v9;
	[tilespmem:v5+s0+$0x0] =	vst.idx.msk $0xffff, v54;
	v5 =	vmul.f32 $5.656854150e+00, v49;
	v58 =	vld [tilespmem:s19+$0x50]  }
0x1a9: {  	v56 =	vmul.f32 $5.656854150e+00, v21;
	v60 =	vadd.s32 v3, v23;
	[tilespmem:v4+s0+$0x0] =	vst.idx.msk $0xffff, v14  }
0x1aa: {  	v61 =	vadd.s32 v3, v26;
	[tilespmem:v52+s0+$0x0] =	vst.idx.msk $0xffff, v5;
	v5 =	vmul.f32 $5.656854150e+00, v10  }
0x1ab: {  	[tilespmem:v50+s0+$0x0] =	vst.idx.msk $0xffff, v56;
	v63 =	vmul.f32 $5.656854150e+00, v59  }
0x1ac: {  	v4 =	vmul.f32 $5.656854150e+00, v55;
	[tilespmem:v57+s0+$0x0] =	vst.idx.msk $0xffff, v5  }
0x1ad: {  	v5 =	vmul.f32 $5.656854150e+00, v58;
	[tilespmem:v62+s0+$0x0] =	vst.idx.msk $0xffff, v63  }
0x1ae: {  	[tilespmem:v60+s0+$0x0] =	vst.idx.msk $0xffff, v4  }
0x1af: {  	s16 =	simm.s32 $0x12800;
	s13 =	sadd.s32 s12, s8;
	[tilespmem:v61+s0+$0x0] =	vst.idx.msk $0xffff, v5  }
0x1b0: {  	[hbm4b:s13+s3] =	stream.linear.scatter [tilespmem:s16], [sflag:$0x7], $0x80, $0x38;
	[tilespmem:$0x16C00] =	vst v63  }
0x1b1: {  	s14 =	sadd.s32 $0x10, s13;
	s17 =	simm.s32 $0x12888  }
0x1b2: {  	[hbm4b:s14+s3] =	stream.linear.scatter [tilespmem:s17], [sflag:$0x7], $0x80, $0x38;
	[tilespmem:$0x16C00] =	vst v63  }
0x1b3: {  	s21 =	sadd.s32 $0x20, s13;
	s19 =	simm.s32 $0x12910  }
0x1b4: {  	[hbm4b:s21+s3] =	stream.linear.scatter [tilespmem:s19], [sflag:$0x7], $0x80, $0x38;
	[tilespmem:$0x16C00] =	vst v63  }
0x1b5: {  	s16 =	simm.s32 $0x12998;
	s17 =	sadd.s32 $0x30, s13  }
0x1b6: {  	[hbm4b:s17+s3] =	stream.linear.scatter [tilespmem:s16], [sflag:$0x7], $0x80, $0x38;
	[tilespmem:$0x16C00] =	vst v63  }
0x1b7: {  	s19 =	simm.s32 $0x12A20;
	s21 =	sadd.s32 $0x40, s13  }
0x1b8: {  	[hbm4b:s21+s3] =	stream.linear.scatter [tilespmem:s19], [sflag:$0x7], $0x80, $0x38;
	[tilespmem:$0x16C00] =	vst v63  }
0x1b9: {  	s12 =	simm.s32 $0x440;
	s16 =	simm.s32 $0x12AA8;
	s17 =	sadd.s32 $0x50, s13  }
0x1ba: {  	[hbm4b:s17+s3] =	stream.linear.scatter [tilespmem:s16], [sflag:$0x7], $0x80, $0x38;
	[tilespmem:$0x16C00] =	vst v63  }
0x1bb: {  	s14 =	sadd.s32 $0x70, s13;
	s19 =	simm.s32 $0x12B30;
	s21 =	sadd.s32 $0x60, s13  }
0x1bc: {  	[hbm4b:s21+s3] =	stream.linear.scatter [tilespmem:s19], [sflag:$0x7], $0x80, $0x38;
	[tilespmem:$0x16C00] =	vst v63  }
0x1bd: {  	s13 =	sadd.s32 $0x1000, s13;
	s17 =	simm.s32 $0x2200;
	s19 =	simm.s32 $0x12BB8  }
.LBB2_17:
0x1be: {  	[hbm4b:s14+s3] =	stream.linear.scatter [tilespmem:s19], [sflag:$0x7], $0x80, $0x38;
	[tilespmem:$0x16C00] =	vst v63  }
0x1bf: {  	s14 =	smov.u32 s12;
	s12 =	smov.u32 s17  }
0x1c0: {  	s16 =	sadd.s32 $0x1100, s17;
	s12 =	sshra.s32 s12, $0x2;
	s19 =	sadd.s32 $0x12800, s14  }
0x1c1: {  	[hbm4b:s13+s3] =	stream.linear.scatter [tilespmem:s19], [sflag:$0x7], $0x80, $0x38;
	[tilespmem:$0x16C00] =	vst v63  }
0x1c2: {  	p2 =	sne.s32 s17, $0x7700;
	s17 =	sadd.s32 $0x12888, s14;
	s19 =	sadd.s32 $0x10, s13  }
0x1c3: {  	[hbm4b:s19+s3] =	stream.linear.scatter [tilespmem:s17], [sflag:$0x7], $0x80, $0x38;
	[tilespmem:$0x16C00] =	vst v63  }
0x1c4: {  	s17 =	sadd.s32 $0x12910, s14;
	s19 =	sadd.s32 $0x20, s13  }
0x1c5: {  	[hbm4b:s19+s3] =	stream.linear.scatter [tilespmem:s17], [sflag:$0x7], $0x80, $0x38;
	[tilespmem:$0x16C00] =	vst v63  }
0x1c6: {  	s17 =	sadd.s32 $0x12998, s14;
	s19 =	sadd.s32 $0x30, s13  }
0x1c7: {  	[hbm4b:s19+s3] =	stream.linear.scatter [tilespmem:s17], [sflag:$0x7], $0x80, $0x38;
	[tilespmem:$0x16C00] =	vst v63  }
0x1c8: {  	s17 =	sadd.s32 $0x12A20, s14;
	s19 =	sadd.s32 $0x40, s13  }
0x1c9: {  	[hbm4b:s19+s3] =	stream.linear.scatter [tilespmem:s17], [sflag:$0x7], $0x80, $0x38;
	[tilespmem:$0x16C00] =	vst v63  }
0x1ca: {  	s17 =	sadd.s32 $0x12AA8, s14;
	s19 =	sadd.s32 $0x50, s13  }
0x1cb: {  	[hbm4b:s19+s3] =	stream.linear.scatter [tilespmem:s17], [sflag:$0x7], $0x80, $0x38;
	[tilespmem:$0x16C00] =	vst v63  }
.Ltmp10:
0x1cc: {  	_ = 	snop;
	(pc) =	sbr.rel @p2 .LBB2_17-.Ltmp10, $4  }
0x1cd: {  	s17 =	sadd.s32 $0x12B30, s14;
	s19 =	sadd.s32 $0x60, s13  }
0x1ce: {  	[hbm4b:s19+s3] =	stream.linear.scatter [tilespmem:s17], [sflag:$0x7], $0x80, $0x38;
	[tilespmem:$0x16C00] =	vst v63  }
0x1cf: {  	s19 =	sadd.s32 $0x12BB8, s14  }
0x1d0: {  	s14 =	sadd.s32 $0x70, s13;
	s13 =	sadd.s32 $0x1000, s13;
	s17 =	smov.u32 s16  }
0x1d1: {  	[hbm4b:s14+s3] =	stream.linear.scatter [tilespmem:s19], [sflag:$0x7], $0x80, $0x38;
	[tilespmem:$0x16C00] =	vst v63  }
0x1d2: {  	s19 =	sadd.s32 $0x12800, s12  }
0x1d3: {  	[hbm4b:s13+s3] =	stream.linear.scatter [tilespmem:s19], [sflag:$0x7], $0x80, $0x38;
	[tilespmem:$0x16C00] =	vst v63  }
0x1d4: {  	s21 =	sadd.s32 $0x12888, s12;
	s16 =	sadd.s32 $0x10, s13  }
0x1d5: {  	[hbm4b:s16+s3] =	stream.linear.scatter [tilespmem:s21], [sflag:$0x7], $0x80, $0x38;
	[tilespmem:$0x16C00] =	vst v63  }
0x1d6: {  	s17 =	sadd.s32 $0x20, s13;
	s16 =	sadd.s32 $0x12910, s12  }
0x1d7: {  	[hbm4b:s17+s3] =	stream.linear.scatter [tilespmem:s16], [sflag:$0x7], $0x80, $0x38;
	[tilespmem:$0x16C00] =	vst v63  }
0x1d8: {  	s19 =	sadd.s32 $0x12998, s12;
	s21 =	sadd.s32 $0x30, s13  }
0x1d9: {  	[hbm4b:s21+s3] =	stream.linear.scatter [tilespmem:s19], [sflag:$0x7], $0x80, $0x38;
	[tilespmem:$0x16C00] =	vst v63  }
0x1da: {  	s16 =	sadd.s32 $0x12A20, s12;
	s17 =	sadd.s32 $0x40, s13  }
0x1db: {  	[hbm4b:s17+s3] =	stream.linear.scatter [tilespmem:s16], [sflag:$0x7], $0x80, $0x38;
	[tilespmem:$0x16C00] =	vst v63  }
0x1dc: {  	s19 =	sadd.s32 $0x12AA8, s12;
	s21 =	sadd.s32 $0x50, s13  }
0x1dd: {  	[hbm4b:s21+s3] =	stream.linear.scatter [tilespmem:s19], [sflag:$0x7], $0x80, $0x38;
	[tilespmem:$0x16C00] =	vst v63  }
.Ltmp11:
0x1de: {  	_ = 	snop;
	(pc) =	sbr.rel @p1 .LBB2_20-.Ltmp11, $4  }
0x1df: {  	s16 =	sadd.s32 $0x12B30, s12;
	s17 =	sadd.s32 $0x60, s13  }
0x1e0: {  	[hbm4b:s17+s3] =	stream.linear.scatter [tilespmem:s16], [sflag:$0x7], $0x80, $0x38;
	[tilespmem:$0x16C00] =	vst v63  }
0x1e1: {  	s19 =	sadd.s32 $0x12BB8, s12;
	s21 =	sadd.s32 $0x70, s13  }
0x1e2: {  	[hbm4b:s21+s3] =	stream.linear.scatter [tilespmem:s19], [sflag:$0x7], $0x80, $0x38;
	[tilespmem:$0x16C00] =	vst v63  }
.Ltmp12:
0x1e3: {  	(pc) =	sbr.rel .LBB2_21-.Ltmp12, $4  }
0x1e4: {  	_ = 	snop  }
0x1e5: {  	_ =	swait.ge [sflag:s1], $0x2000  }
0x1e6: {  	[sflag:s1] =	ssyncset.done $0x0  }
0x1e7: {  	[sflag:s1] =	ssyncadd.s32 $0xFFFFE000  }
.LBB2_20:
0x1e8: {  	s12 =	sshll.u32 s5, $0xA  }
0x1e9: {  	s12 =	sand.u32 $0x3FFFFC00, s12  }
0x1ea: {  	s14 =	simm.s32 $0x8400;
	s13 =	sadd.s32 $0x500, s12  }
0x1eb: {  	[tilespmem:s14], [sflag:$0x2] =	stream.indirect.gather [hbm4b:s4+s10], $0x20, s13, s10, $0xb8;
	[tilespmem:$0x16C00] =	vst v63  }
.Ltmp13:
0x1ec: {  	s12 =	sadd.s32 $0x580, s12;
	(pc) =	sbr.rel @p0 .LBB2_22-.Ltmp13, $4  }
0x1ed: {  	[tilespmem:s18], [sflag:$0x2] =	stream.indirect.gather [hbm4b:s4+s10], $0x20, s12, s10, $0xb8;
	[tilespmem:$0x16C00] =	vst v63  }
0x1ee: {  	_ =	swait.ge [sflag:s1], $0x2000  }
0x1ef: {  	[sflag:s1] =	ssyncset.done $0x0  }
0x1f0: {  	[sflag:s1] =	ssyncadd.s32 $0xFFFFE000  }
.LBB2_21:
0x1f1: {  	_ =	swait.ge [sflag:s11], $0x2000  }
0x1f2: {  	[sflag:s11] =	ssyncset.done $0x0  }
0x1f3: {  	[sflag:s11] =	ssyncadd.s32 $0xFFFFE000  }
.LBB2_22:
0x1f4: {  	s13 =	simm.s32 $0xD400;
	s12 =	simm.s32 $0x3  }
0x1f5: {  	v4 =	vmov s12;
	v5 =	vld [tilespmem:s13+$0xFFFFF060]  }
0x1f6: {  	v9 =	vand.u32 $0x7F, v4  }
0x1f7: {  	s17 =	simm.s32 $0x0;
	v4 =	vadd.s32 v0, v9  }
0x1f8: {  	s19 =	simm.s32 $0x1;
	s14 =	simm.s32 $0x2;
	v6 =	vmov s17;
	v7 =	vld [tilespmem:s13+$0xFFFFF000]  }
0x1f9: {  	v10 =	vld [tilespmem:s13+$0xFFFFF020];
	v11 =	vmov s14;
	v8 =	vand.u32 $0x7C, v6;
	v6 =	vmov s19  }
0x1fa: {  	v12 =	vadd.s32 v0, v8;
	v15 =	vand.u32 $0x7D, v6;
	v6 =	vld [tilespmem:s13+$0xFFFFF040];
	v5 =	vmul.f32 $5.656854150e+00, v5  }
0x1fb: {  	v17 =	vand.u32 $0x7E, v11;
	v13 =	vadd.s32 v0, v15  }
0x1fc: {  	v11 =	vadd.s32 v0, v17;
	[tilespmem:v4+s15+$0x0] =	vst.idx.msk $0xffff, v5  }
0x1fd: {  	v4 =	vmul.f32 $5.656854150e+00, v7;
	v5 =	vld [tilespmem:s13+$0xFFFFF070]  }
0x1fe: {  	v7 =	vmul.f32 $5.656854150e+00, v10  }
0x1ff: {  	[tilespmem:v12+s15+$0x0] =	vst.idx.msk $0xffff, v4;
	v4 =	vmul.f32 $5.656854150e+00, v6;
	v6 =	vadd.s32 v1, v9  }
0x200: {  	[tilespmem:v13+s15+$0x0] =	vst.idx.msk $0xffff, v7;
	v10 =	vld [tilespmem:s13+$0xFFFFF010]  }
0x201: {  	v7 =	vld [tilespmem:s13+$0xFFFFF030];
	[tilespmem:v11+s15+$0x0] =	vst.idx.msk $0xffff, v4  }
0x202: {  	v11 =	vld [tilespmem:s13+$0xFFFFF050];
	v4 =	vmul.f32 $5.656854150e+00, v5  }
0x203: {  	s21 =	simm.s32 $0x4;
	s16 =	simm.s32 $0x7;
	s12 =	simm.s32 $0xD480;
	v12 =	vadd.s32 v1, v15  }
0x204: {  	v14 =	vld [tilespmem:s12+$0xFFFFF060];
	v13 =	vadd.s32 v1, v17;
	v5 =	vmov s21;
	[tilespmem:v6+s15+$0x0] =	vst.idx.msk $0xffff, v4;
	v6 =	vmov s16  }
0x205: {  	v16 =	vadd.s32 v1, v8;
	v4 =	vand.u32 $0x7C, v5;
	v5 =	vand.u32 $0x7F, v6;
	v18 =	vld [tilespmem:s13+$0x60]  }
0x206: {  	s17 =	simm.s32 $0x5;
	v19 =	vld [tilespmem:s12+$0xFFFFF000];
	v22 =	vadd.s32 v2, v9;
	v6 =	vmul.f32 $5.656854150e+00, v7;
	v20 =	vadd.s32 v0, v5  }
0x207: {  	s19 =	simm.s32 $0x6;
	v21 =	vld [tilespmem:s12+$0xFFFFF020];
	v10 =	vmul.f32 $5.656854150e+00, v10;
	v7 =	vmul.f32 $5.656854150e+00, v11;
	v11 =	vmov s17  }
0x208: {  	v23 =	vadd.s32 v0, v4;
	[tilespmem:v12+s15+$0x0] =	vst.idx.msk $0xffff, v6;
	v12 =	vmov s19;
	v6 =	vand.u32 $0x7D, v11;
	v11 =	vld [tilespmem:s12+$0xFFFFF040]  }
0x209: {  	[tilespmem:v13+s15+$0x0] =	vst.idx.msk $0xffff, v7;
	v13 =	vadd.s32 v0, v6;
	v7 =	vand.u32 $0x7E, v12;
	v12 =	vmul.f32 $5.656854150e+00, v14;
	v14 =	vld [tilespmem:s13+$0x20]  }
0x20a: {  	[tilespmem:v16+s15+$0x0] =	vst.idx.msk $0xffff, v10;
	v10 =	vadd.s32 v0, v7;
	v16 =	vld [tilespmem:s13+$0x40];
	v18 =	vmul.f32 $5.656854150e+00, v18  }
0x20b: {  	v19 =	vmul.f32 $5.656854150e+00, v19;
	[tilespmem:v20+s15+$0x0] =	vst.idx.msk $0xffff, v12;
	v12 =	vld [tilespmem:s13+$0x0];
	v20 =	vadd.s32 v2, v15  }
0x20c: {  	v25 =	vadd.s32 v2, v17;
	v21 =	vmul.f32 $5.656854150e+00, v21;
	v24 =	vld [tilespmem:s12+$0xFFFFF070];
	[tilespmem:v22+s15+$0x0] =	vst.idx.msk $0xffff, v18  }
0x20d: {  	[tilespmem:v23+s15+$0x0] =	vst.idx.msk $0xffff, v19;
	v19 =	vadd.s32 v2, v8;
	v11 =	vmul.f32 $5.656854150e+00, v11;
	v22 =	vld [tilespmem:s13+$0x70]  }
0x20e: {  	v23 =	vld [tilespmem:s12+$0xFFFFF010];
	[tilespmem:v13+s15+$0x0] =	vst.idx.msk $0xffff, v21;
	v21 =	vadd.s32 v1, v5;
	v14 =	vmul.f32 $5.656854150e+00, v14  }
0x20f: {  	v27 =	vadd.s32 v3, v9;
	v26 =	vld [tilespmem:s12+$0xFFFFF030];
	[tilespmem:v10+s15+$0x0] =	vst.idx.msk $0xffff, v11;
	v10 =	vmul.f32 $5.656854150e+00, v16  }
0x210: {  	v18 =	vadd.s32 v1, v4;
	v13 =	vld [tilespmem:s12+$0xFFFFF050];
	v9 =	vmul.f32 $5.656854150e+00, v12;
	[tilespmem:v20+s15+$0x0] =	vst.idx.msk $0xffff, v14  }
0x211: {  	s19 =	simm.s32 $0x8;
	v16 =	vadd.s32 v1, v6;
	[tilespmem:v25+s15+$0x0] =	vst.idx.msk $0xffff, v10;
	v14 =	vmul.f32 $5.656854150e+00, v24;
	v12 =	vld [tilespmem:s13+$0x30]  }
0x212: {  	v20 =	vmov s19;
	v10 =	vadd.s32 v1, v7;
	v11 =	vld [tilespmem:s13+$0x50];
	[tilespmem:v19+s15+$0x0] =	vst.idx.msk $0xffff, v9;
	v63 =	vmul.f32 $5.656854150e+00, v22  }
0x213: {  	s21 =	simm.s32 $0xB;
	s17 =	simm.s32 $0xD500;
	v15 =	vadd.s32 v3, v15;
	v9 =	vand.u32 $0x7C, v20;
	v20 =	vmul.f32 $5.656854150e+00, v23;
	[tilespmem:v21+s15+$0x0] =	vst.idx.msk $0xffff, v14;
	v14 =	vld [tilespmem:s13+$0x10]  }
0x214: {  	v17 =	vadd.s32 v3, v17;
	v22 =	vmov s21;
	v19 =	vld [tilespmem:s17+$0xFFFFF060];
	s13 =	simm.s32 $0xC;
	v21 =	vmul.f32 $5.656854150e+00, v26;
	[tilespmem:v27+s15+$0x0] =	vst.idx.msk $0xffff, v63  }
.LBB2_23:
0x215: {  	p0 =	slt.u32 s13, $0x7C;
	s14 =	sadd.s32 $0x1, s19;
	v22 =	vand.u32 $0x7F, v22;
	[tilespmem:v18+s15+$0x0] =	vst.idx.msk $0xffff, v20;
	v13 =	vmul.f32 $5.656854150e+00, v13;
	v18 =	vld [tilespmem:s12+$0x60];
	v20 =	vadd.s32 v3, v8;
	v8 =	vmovc v4  }
0x216: {  	v4 =	vmovc v9;
	v23 =	vld [tilespmem:s17+$0xFFFFF000];
	v24 =	vmov s14;
	s14 =	sadd.s32 $0x2, s19;
	v25 =	vadd.s32 v0, v22;
	[tilespmem:v16+s15+$0x0] =	vst.idx.msk $0xffff, v21;
	v12 =	vmul.f32 $5.656854150e+00, v12;
	s19 =	smov.u32 s13  }
0x217: {  	v9 =	vld [tilespmem:s17+$0xFFFFF020];
	v16 =	vmov s14;
	[tilespmem:v10+s15+$0x0] =	vst.idx.msk $0xffff, v13;
	v10 =	vadd.s32 v2, v5;
	v11 =	vmul.f32 $5.656854150e+00, v11  }
0x218: {  	v13 =	vadd.s32 v0, v4;
	v21 =	vand.u32 $0x7D, v24;
	v24 =	vld [tilespmem:s17+$0xFFFFF040];
	v14 =	vmul.f32 $5.656854150e+00, v14;
	[tilespmem:v15+s15+$0x0] =	vst.idx.msk $0xffff, v12  }
0x219: {  	v12 =	vadd.s32 v0, v21;
	v26 =	vand.u32 $0x7E, v16;
	v15 =	vmul.f32 $5.656854150e+00, v19;
	v16 =	vld [tilespmem:s12+$0x20];
	[tilespmem:v17+s15+$0x0] =	vst.idx.msk $0xffff, v11  }
0x21a: {  	v11 =	vadd.s32 v0, v26;
	v17 =	vld [tilespmem:s12+$0x40];
	v18 =	vmul.f32 $5.656854150e+00, v18;
	[tilespmem:v20+s15+$0x0] =	vst.idx.msk $0xffff, v14  }
0x21b: {  	v19 =	vadd.s32 v2, v6;
	v14 =	vmul.f32 $5.656854150e+00, v23;
	[tilespmem:v25+s15+$0x0] =	vst.idx.msk $0xffff, v15;
	v15 =	vld [tilespmem:s12+$0x0]  }
0x21c: {  	v23 =	vadd.s32 v2, v7;
	v9 =	vmul.f32 $5.656854150e+00, v9;
	v20 =	vld [tilespmem:s17+$0xFFFFF070];
	[tilespmem:v10+s15+$0x0] =	vst.idx.msk $0xffff, v18  }
0x21d: {  	[tilespmem:v13+s15+$0x0] =	vst.idx.msk $0xffff, v14;
	v10 =	vmul.f32 $5.656854150e+00, v24;
	v14 =	vadd.s32 v2, v8;
	v24 =	vld [tilespmem:s12+$0x70]  }
0x21e: {  	v27 =	vadd.s32 v1, v22;
	v25 =	vld [tilespmem:s17+$0xFFFFF010];
	[tilespmem:v12+s15+$0x0] =	vst.idx.msk $0xffff, v9;
	v9 =	vmul.f32 $5.656854150e+00, v16  }
0x21f: {  	v29 =	vadd.s32 v3, v5;
	v5 =	vmov v22;
	v28 =	vld [tilespmem:s17+$0xFFFFF030];
	[tilespmem:v11+s15+$0x0] =	vst.idx.msk $0xffff, v10;
	v10 =	vmul.f32 $5.656854150e+00, v17  }
.Ltmp14:
0x220: {  	v18 =	vadd.s32 v1, v4;
	v13 =	vld [tilespmem:s17+$0xFFFFF050];
	v11 =	vmul.f32 $5.656854150e+00, v15;
	[tilespmem:v19+s15+$0x0] =	vst.idx.msk $0xffff, v9;
	(pc) =	sbr.rel @p0 .LBB2_23-.Ltmp14, $4  }
0x221: {  	v16 =	vadd.s32 v1, v21;
	v15 =	vmul.f32 $5.656854150e+00, v20;
	v12 =	vld [tilespmem:s12+$0x30];
	[tilespmem:v23+s15+$0x0] =	vst.idx.msk $0xffff, v10  }
0x222: {  	v9 =	vmov s13;
	v10 =	vadd.s32 v1, v26;
	[tilespmem:v14+s15+$0x0] =	vst.idx.msk $0xffff, v11;
	v11 =	vld [tilespmem:s12+$0x50];
	v23 =	vmul.f32 $5.656854150e+00, v24  }
0x223: {  	s14 =	sadd.s32 $0x3, s13;
	v9 =	vand.u32 $0x7C, v9;
	v20 =	vmul.f32 $5.656854150e+00, v25;
	[tilespmem:v27+s15+$0x0] =	vst.idx.msk $0xffff, v15;
	v14 =	vld [tilespmem:s12+$0x10];
	v15 =	vadd.s32 v3, v6;
	v6 =	vmovc v21;
	s12 =	smov.u32 s17;
	s17 =	sadd.s32 $0x80, s17  }
0x224: {  	v22 =	vmov s14;
	v17 =	vadd.s32 v3, v7;
	v7 =	vmovc v26;
	s13 =	sadd.s32 $0x4, s13;
	v19 =	vld [tilespmem:s17+$0xFFFFF060];
	v21 =	vmul.f32 $5.656854150e+00, v28;
	[tilespmem:v29+s15+$0x0] =	vst.idx.msk $0xffff, v23  }
0x225: {  	s13 =	sadd.s32 $0x1, s19;
	v22 =	vand.u32 $0x7F, v22;
	v28 =	vld [tilespmem:s17+$0xFFFFF000]  }
0x226: {  	s19 =	sadd.s32 $0x2, s19;
	v24 =	vld [tilespmem:s17+$0xFFFFF020];
	v23 =	vmov s13;
	v25 =	vadd.s32 v0, v22  }
0x227: {  	v27 =	vld [tilespmem:s17+$0xFFFFF040];
	v51 =	vadd.s32 v0, v9;
	v26 =	vmov s19;
	v23 =	vand.u32 $0x7D, v23  }
0x228: {  	v26 =	vand.u32 $0x7E, v26;
	v29 =	vadd.s32 v0, v23  }
0x229: {  	[tilespmem:v18+s15+$0x0] =	vst.idx.msk $0xffff, v20;
	v30 =	vadd.s32 v0, v26;
	v19 =	vmul.f32 $5.656854150e+00, v19  }
0x22a: {  	[tilespmem:v16+s15+$0x0] =	vst.idx.msk $0xffff, v21;
	v54 =	vmul.f32 $5.656854150e+00, v28  }
0x22b: {  	v52 =	vmul.f32 $5.656854150e+00, v24;
	[tilespmem:v25+s15+$0x0] =	vst.idx.msk $0xffff, v19  }
0x22c: {  	v53 =	vmul.f32 $5.656854150e+00, v27;
	v55 =	vld [tilespmem:s17+$0xFFFFF070];
	[tilespmem:v51+s15+$0x0] =	vst.idx.msk $0xffff, v54  }
0x22d: {  	v13 =	vmul.f32 $5.656854150e+00, v13;
	v8 =	vadd.s32 v3, v8;
	[tilespmem:v29+s15+$0x0] =	vst.idx.msk $0xffff, v52;
	v59 =	vld [tilespmem:s17+$0xFFFFF010]  }
0x22e: {  	v12 =	vmul.f32 $5.656854150e+00, v12;
	v57 =	vadd.s32 v1, v22;
	[tilespmem:v30+s15+$0x0] =	vst.idx.msk $0xffff, v53;
	v56 =	vld [tilespmem:s17+$0xFFFFF030]  }
0x22f: {  	[tilespmem:v10+s15+$0x0] =	vst.idx.msk $0xffff, v13;
	v58 =	vmul.f32 $5.656854150e+00, v11;
	v28 =	vadd.s32 v1, v9;
	v19 =	vld [tilespmem:s17+$0xFFFFF050]  }
0x230: {  	v61 =	vld [tilespmem:s12+$0x60];
	v60 =	vadd.s32 v1, v23;
	v14 =	vmul.f32 $5.656854150e+00, v14;
	[tilespmem:v15+s15+$0x0] =	vst.idx.msk $0xffff, v12  }
0x231: {  	v32 =	vld [tilespmem:s12+$0x0];
	v62 =	vadd.s32 v1, v26;
	[tilespmem:v17+s15+$0x0] =	vst.idx.msk $0xffff, v58;
	v16 =	vmul.f32 $5.656854150e+00, v55  }
0x232: {  	[tilespmem:v8+s15+$0x0] =	vst.idx.msk $0xffff, v14;
	v29 =	vadd.s32 v2, v5;
	v30 =	vld [tilespmem:s12+$0x40];
	v11 =	vmul.f32 $5.656854150e+00, v59  }
0x233: {  	v38 =	vadd.s32 v2, v4;
	v63 =	vld [tilespmem:s12+$0x20];
	v31 =	vmul.f32 $5.656854150e+00, v56;
	[tilespmem:v57+s15+$0x0] =	vst.idx.msk $0xffff, v16  }
0x234: {  	v35 =	vadd.s32 v2, v7;
	v34 =	vmul.f32 $5.656854150e+00, v19;
	v36 =	vld [tilespmem:s17+$0x60];
	[tilespmem:v28+s15+$0x0] =	vst.idx.msk $0xffff, v11  }
0x235: {  	v33 =	vadd.s32 v2, v6;
	v37 =	vmul.f32 $5.656854150e+00, v61;
	[tilespmem:v60+s15+$0x0] =	vst.idx.msk $0xffff, v31;
	v43 =	vld [tilespmem:s17+$0x0]  }
0x236: {  	v40 =	vadd.s32 v2, v22;
	v14 =	vmul.f32 $5.656854150e+00, v32;
	[tilespmem:v62+s15+$0x0] =	vst.idx.msk $0xffff, v34;
	v39 =	vld [tilespmem:s17+$0x20]  }
0x237: {  	v48 =	vadd.s32 v2, v9;
	[tilespmem:v29+s15+$0x0] =	vst.idx.msk $0xffff, v37;
	v42 =	vmul.f32 $5.656854150e+00, v30;
	v41 =	vld [tilespmem:s17+$0x40]  }
0x238: {  	v44 =	vadd.s32 v2, v23;
	v15 =	vmul.f32 $5.656854150e+00, v63;
	[tilespmem:v38+s15+$0x0] =	vst.idx.msk $0xffff, v14;
	v45 =	vld [tilespmem:s12+$0x70]  }
0x239: {  	v46 =	vadd.s32 v2, v26;
	v14 =	vld [tilespmem:s12+$0x10];
	[tilespmem:v35+s15+$0x0] =	vst.idx.msk $0xffff, v42;
	v47 =	vmul.f32 $5.656854150e+00, v36  }
0x23a: {  	v5 =	vadd.s32 v3, v5;
	[tilespmem:v33+s15+$0x0] =	vst.idx.msk $0xffff, v15;
	v49 =	vld [tilespmem:s12+$0x50];
	v53 =	vmul.f32 $5.656854150e+00, v43  }
0x23b: {  	v4 =	vadd.s32 v3, v4;
	v21 =	vld [tilespmem:s12+$0x30];
	v12 =	vmul.f32 $5.656854150e+00, v39;
	[tilespmem:v40+s15+$0x0] =	vst.idx.msk $0xffff, v47  }
0x23c: {  	v52 =	vadd.s32 v3, v7;
	v51 =	vmul.f32 $5.656854150e+00, v41;
	v10 =	vld [tilespmem:s17+$0x70];
	[tilespmem:v48+s15+$0x0] =	vst.idx.msk $0xffff, v53  }
0x23d: {  	v50 =	vadd.s32 v3, v6;
	v54 =	vmul.f32 $5.656854150e+00, v45;
	[tilespmem:v44+s15+$0x0] =	vst.idx.msk $0xffff, v12;
	v59 =	vld [tilespmem:s17+$0x10]  }
0x23e: {  	v57 =	vadd.s32 v3, v22;
	v14 =	vmul.f32 $5.656854150e+00, v14;
	[tilespmem:v46+s15+$0x0] =	vst.idx.msk $0xffff, v51;
	v55 =	vld [tilespmem:s17+$0x30]  }
0x23f: {  	v62 =	vadd.s32 v3, v9;
	[tilespmem:v5+s15+$0x0] =	vst.idx.msk $0xffff, v54;
	v5 =	vmul.f32 $5.656854150e+00, v49;
	v58 =	vld [tilespmem:s17+$0x50]  }
0x240: {  	v56 =	vmul.f32 $5.656854150e+00, v21;
	v60 =	vadd.s32 v3, v23;
	[tilespmem:v4+s15+$0x0] =	vst.idx.msk $0xffff, v14  }
0x241: {  	v61 =	vadd.s32 v3, v26;
	[tilespmem:v52+s15+$0x0] =	vst.idx.msk $0xffff, v5;
	v5 =	vmul.f32 $5.656854150e+00, v10  }
0x242: {  	[tilespmem:v50+s15+$0x0] =	vst.idx.msk $0xffff, v56;
	v63 =	vmul.f32 $5.656854150e+00, v59  }
0x243: {  	s9 =	sshll.u32 s9, $0x12;
	v4 =	vmul.f32 $5.656854150e+00, v55;
	[tilespmem:v57+s15+$0x0] =	vst.idx.msk $0xffff, v5  }
0x244: {  	s9 =	sor.u32 s6, s9;
	v5 =	vmul.f32 $5.656854150e+00, v58;
	[tilespmem:v62+s15+$0x0] =	vst.idx.msk $0xffff, v63  }
0x245: {  	s9 =	sshrl.u32 s9, $0x3;
	[tilespmem:v60+s15+$0x0] =	vst.idx.msk $0xffff, v4  }
0x246: {  	s21 =	simm.s32 $0x14A00;
	s12 =	sadd.s32 s2, s9;
	[tilespmem:v61+s15+$0x0] =	vst.idx.msk $0xffff, v5  }
0x247: {  	[hbm4b:s12+s3] =	stream.linear.scatter [tilespmem:s21], [sflag:$0x8], $0x80, $0x38;
	[tilespmem:$0x16C00] =	vst v63  }
0x248: {  	s13 =	simm.s32 $0x14A88;
	s14 =	sadd.s32 $0x10, s12  }
0x249: {  	[hbm4b:s14+s3] =	stream.linear.scatter [tilespmem:s13], [sflag:$0x8], $0x80, $0x38;
	[tilespmem:$0x16C00] =	vst v63  }
0x24a: {  	s16 =	simm.s32 $0x14B10;
	s19 =	simm.s32 $0x14B98;
	s17 =	sadd.s32 $0x20, s12  }
0x24b: {  	[hbm4b:s17+s3] =	stream.linear.scatter [tilespmem:s16], [sflag:$0x8], $0x80, $0x38;
	[tilespmem:$0x16C00] =	vst v63  }
0x24c: {  	s9 =	simm.s32 $0x440;
	s21 =	sadd.s32 $0x30, s12;
	s13 =	simm.s32 $0x14C20  }
0x24d: {  	[hbm4b:s21+s3] =	stream.linear.scatter [tilespmem:s19], [sflag:$0x8], $0x80, $0x38;
	[tilespmem:$0x16C00] =	vst v63  }
0x24e: {  	s14 =	sadd.s32 $0x40, s12;
	s16 =	simm.s32 $0x14CA8;
	s17 =	sadd.s32 $0x50, s12  }
0x24f: {  	[hbm4b:s14+s3] =	stream.linear.scatter [tilespmem:s13], [sflag:$0x8], $0x80, $0x38;
	[tilespmem:$0x16C00] =	vst v63  }
0x250: {  	s19 =	simm.s32 $0x14D30;
	s21 =	sadd.s32 $0x60, s12;
	s13 =	simm.s32 $0x2200  }
0x251: {  	[hbm4b:s17+s3] =	stream.linear.scatter [tilespmem:s16], [sflag:$0x8], $0x80, $0x38;
	[tilespmem:$0x16C00] =	vst v63  }
0x252: {  	s14 =	sadd.s32 $0x70, s12;
	s12 =	sadd.s32 $0x1000, s12;
	s17 =	simm.s32 $0x14DB8  }
0x253: {  	[hbm4b:s21+s3] =	stream.linear.scatter [tilespmem:s19], [sflag:$0x8], $0x80, $0x38;
	[tilespmem:$0x16C00] =	vst v63  }
.LBB2_25:
0x254: {  	[hbm4b:s14+s3] =	stream.linear.scatter [tilespmem:s17], [sflag:$0x8], $0x80, $0x38;
	[tilespmem:$0x16C00] =	vst v63  }
0x255: {  	s14 =	smov.u32 s9;
	s9 =	smov.u32 s13  }
0x256: {  	s16 =	sadd.s32 $0x1100, s13;
	s9 =	sshra.s32 s9, $0x2;
	s17 =	sadd.s32 $0x14A00, s14  }
0x257: {  	[hbm4b:s12+s3] =	stream.linear.scatter [tilespmem:s17], [sflag:$0x8], $0x80, $0x38;
	[tilespmem:$0x16C00] =	vst v63  }
0x258: {  	p0 =	sne.s32 s13, $0x7700;
	s13 =	sadd.s32 $0x14A88, s14;
	s17 =	sadd.s32 $0x10, s12  }
0x259: {  	[hbm4b:s17+s3] =	stream.linear.scatter [tilespmem:s13], [sflag:$0x8], $0x80, $0x38;
	[tilespmem:$0x16C00] =	vst v63  }
0x25a: {  	s13 =	sadd.s32 $0x14B10, s14;
	s17 =	sadd.s32 $0x20, s12  }
0x25b: {  	[hbm4b:s17+s3] =	stream.linear.scatter [tilespmem:s13], [sflag:$0x8], $0x80, $0x38;
	[tilespmem:$0x16C00] =	vst v63  }
0x25c: {  	s13 =	sadd.s32 $0x14B98, s14;
	s17 =	sadd.s32 $0x30, s12  }
0x25d: {  	[hbm4b:s17+s3] =	stream.linear.scatter [tilespmem:s13], [sflag:$0x8], $0x80, $0x38;
	[tilespmem:$0x16C00] =	vst v63  }
0x25e: {  	s13 =	sadd.s32 $0x14C20, s14;
	s17 =	sadd.s32 $0x40, s12  }
0x25f: {  	[hbm4b:s17+s3] =	stream.linear.scatter [tilespmem:s13], [sflag:$0x8], $0x80, $0x38;
	[tilespmem:$0x16C00] =	vst v63  }
0x260: {  	s13 =	sadd.s32 $0x14CA8, s14;
	s17 =	sadd.s32 $0x50, s12  }
0x261: {  	[hbm4b:s17+s3] =	stream.linear.scatter [tilespmem:s13], [sflag:$0x8], $0x80, $0x38;
	[tilespmem:$0x16C00] =	vst v63  }
.Ltmp15:
0x262: {  	_ = 	snop;
	(pc) =	sbr.rel @p0 .LBB2_25-.Ltmp15, $4  }
0x263: {  	s13 =	sadd.s32 $0x14D30, s14;
	s17 =	sadd.s32 $0x60, s12  }
0x264: {  	[hbm4b:s17+s3] =	stream.linear.scatter [tilespmem:s13], [sflag:$0x8], $0x80, $0x38;
	[tilespmem:$0x16C00] =	vst v63  }
0x265: {  	s17 =	sadd.s32 $0x14DB8, s14  }
0x266: {  	s14 =	sadd.s32 $0x70, s12;
	s12 =	sadd.s32 $0x1000, s12;
	s13 =	smov.u32 s16  }
0x267: {  	[hbm4b:s14+s3] =	stream.linear.scatter [tilespmem:s17], [sflag:$0x8], $0x80, $0x38;
	[tilespmem:$0x16C00] =	vst v63  }
0x268: {  	s13 =	sadd.s32 $0x14A00, s9  }
0x269: {  	[hbm4b:s12+s3] =	stream.linear.scatter [tilespmem:s13], [sflag:$0x8], $0x80, $0x38;
	[tilespmem:$0x16C00] =	vst v63  }
0x26a: {  	s19 =	sadd.s32 $0x14A88, s9;
	s21 =	sadd.s32 $0x10, s12  }
0x26b: {  	[hbm4b:s21+s3] =	stream.linear.scatter [tilespmem:s19], [sflag:$0x8], $0x80, $0x38;
	[tilespmem:$0x16C00] =	vst v63  }
0x26c: {  	s16 =	sadd.s32 $0x14B10, s9;
	s17 =	sadd.s32 $0x20, s12  }
0x26d: {  	[hbm4b:s17+s3] =	stream.linear.scatter [tilespmem:s16], [sflag:$0x8], $0x80, $0x38;
	[tilespmem:$0x16C00] =	vst v63  }
0x26e: {  	s19 =	sadd.s32 $0x14B98, s9;
	s21 =	sadd.s32 $0x30, s12  }
0x26f: {  	[hbm4b:s21+s3] =	stream.linear.scatter [tilespmem:s19], [sflag:$0x8], $0x80, $0x38;
	[tilespmem:$0x16C00] =	vst v63  }
0x270: {  	s16 =	sadd.s32 $0x14C20, s9;
	s17 =	sadd.s32 $0x40, s12  }
0x271: {  	[hbm4b:s17+s3] =	stream.linear.scatter [tilespmem:s16], [sflag:$0x8], $0x80, $0x38;
	[tilespmem:$0x16C00] =	vst v63  }
0x272: {  	p0 =	seq.s32 s5, $0x18;
	s19 =	sadd.s32 $0x14CA8, s9;
	s21 =	sadd.s32 $0x50, s12  }
0x273: {  	[hbm4b:s21+s3] =	stream.linear.scatter [tilespmem:s19], [sflag:$0x8], $0x80, $0x38;
	[tilespmem:$0x16C00] =	vst v63  }
.Ltmp16:
0x274: {  	_ = 	snop;
	(pc) =	sbr.rel @p0 .LBB2_28-.Ltmp16, $4  }
0x275: {  	s16 =	sadd.s32 $0x14D30, s9;
	s17 =	sadd.s32 $0x60, s12  }
0x276: {  	[hbm4b:s17+s3] =	stream.linear.scatter [tilespmem:s16], [sflag:$0x8], $0x80, $0x38;
	[tilespmem:$0x16C00] =	vst v63  }
0x277: {  	s19 =	sadd.s32 $0x14DB8, s9;
	s21 =	sadd.s32 $0x70, s12  }
0x278: {  	[hbm4b:s21+s3] =	stream.linear.scatter [tilespmem:s19], [sflag:$0x8], $0x80, $0x38;
	[tilespmem:$0x16C00] =	vst v63  }
0x279: {  	s9 =	sshll.u32 s5, $0xA  }
.Ltmp17:
0x27a: {  	s9 =	sand.u32 $0x3FFFFC00, s9;
	(pc) =	sbr.rel .LBB2_2-.Ltmp17, $4  }
0x27b: {  	s12 =	sadd.s32 $0x600, s9  }
0x27c: {  	[tilespmem:s20], [sflag:$0x3] =	stream.indirect.gather [hbm4b:s4+s10], $0x20, s12, s10, $0xb8;
	[tilespmem:$0x16C00] =	vst v63  }
0x27d: {  	s5 =	sadd.s32 $0x1, s5;
	s9 =	sadd.s32 $0x680, s9  }
0x27e: {  	[tilespmem:s22], [sflag:$0x3] =	stream.indirect.gather [hbm4b:s4+s10], $0x20, s9, s10, $0xb8;
	[tilespmem:$0x16C00] =	vst v63  }
.LBB2_29:
0x27f: {  	_ =	sfence.sel $0x180000  }
0x280: {  	[bflag:$0x0] =	sbarrier.arrive $0xFFFF  }
0x281: {  	_ =	strace $0x90000047  }
0x282: {  	s0 =	stileid.u32;
	[bflag:$0x2] =	sbarrier.arrive $0xFFFF  }
0x283: {  	p0 =	sne.s32 s0, $0x0;
	s0 =	rddreg [dreg:$0x2]  }
0x284: {  	s0 =	sadd.s32 @!p0 $0x100000, s0  }
0x285: {  	[sflag:s0] =	ssyncadd.tile.s32 @!p0 $0x1;
	_ =	shalt  }
.Lfunc_end2:
_tile_overlayer_lowered:
.L_overlay_start_2:
0x286: {  	(tag) =	ssettag $0x2  }
0x287: {  	s0 =	rddreg [dreg:$0x0];
	s2 =	stileid.u32  }
0x288: {  	s1 =	rddreg [dreg:$0x1];
	p0 =	sne.s32 s2, $0x0  }
0x289: {  	s3 =	rddreg [dreg:$0x2];
	[bflag:$0x3] =	sbarrier.arrive $0xFFFF;
	s2 =	simm.s32 @!p0 $0x1C09  }
0x28a: {  	[timem:s3], [sflag:s2] =	dma.local @!p0 [hbm:s0], s1  }
0x28b: {  	s0 =	simm.s32 @!p0 $0x9  }
0x28c: {  	_ =	swait.ge @!p0 [sflag:s0], s1  }
0x28d: {  	s1 =	ssub.s32 @!p0 $0x0, s1;
	[sflag:s0] =	ssyncset.done @!p0 $0x0  }
0x28e: {  	[sflag:s0] =	ssyncadd.s32 @!p0 s1  }
0x28f: {  	[bflag:$0x3] =	sbarrier.arrive $0xFFFF  }
0x290: {  	_ =	shalt  }

</sc_bundles>
